<compile_context>
chip_gen: v7x
topology: tpu7x:2x2x1
jax: 0.10.2.dev20260603
libtpu: 0.0.44.dev20260713+nightly
codegen_flags: <defaults>
</compile_context>

<pallas_src>
import functools

import jax
import jax.numpy as jnp
from jax import lax
from jax.experimental import pallas as pl
from jax.experimental.pallas import tpu as pltpu
from jax.experimental.pallas import tpu_sc as plsc

N = 10000
CH = 128
E = 320000
NW = 32
EPW = E // NW
BA = 125
KA = EPW // BA
BD = 128
KD = 80
EPAD = KD * BD - EPW
RPT = 624
NPAD = 10240
RPD = NPAD // 16

_mesh = plsc.VectorSubcoreMesh(
    core_axis_name="c", subcore_axis_name="s", num_cores=2, num_subcores=16)

_f32 = jnp.float32


@functools.partial(
    pl.kernel,
    out_type=jax.ShapeDtypeStruct((2, NPAD), _f32),
    mesh=_mesh,
    scratch_types=[
        pltpu.VMEM_SHARED((NPAD,), _f32),
        pltpu.VMEM((KD, BD), jnp.int32),
        pltpu.VMEM((BD,), _f32),
        pltpu.VMEM((RPD,), _f32),
        pltpu.SemaphoreType.DMA,
    ],
)
def _deg_kernel(dst_hbm, hist_hbm, hist_sp, idx_v, ones_v, buf_v, semw):
    c = lax.axis_index("c")
    s = lax.axis_index("s")
    for i in range(RPD // 16):
        buf_v[pl.ds(16 * i, 16)] = jnp.zeros((16,), _f32)
    pltpu.sync_copy(buf_v, hist_sp.at[pl.ds(RPD * s, RPD)])
    for i in range(BD // 16):
        ones_v[pl.ds(16 * i, 16)] = jnp.ones((16,), _f32)
    pltpu.sync_copy(dst_hbm.at[c * 16 + s], idx_v)
    plsc.subcore_barrier()

    def body(k, carry):
        pltpu.async_copy(ones_v, hist_sp.at[idx_v.at[k]], semw, add=True)
        return carry

    lax.fori_loop(0, KD, body, 0)

    def drain(k, carry):
        pltpu.make_async_copy(ones_v, hist_sp.at[idx_v.at[0]], semw).wait()
        return carry

    lax.fori_loop(0, KD, drain, 0)
    plsc.subcore_barrier()

    @pl.when(s == 0)
    def _():
        pltpu.sync_copy(hist_sp, hist_hbm.at[c])


@functools.partial(
    pl.kernel,
    out_type=jax.ShapeDtypeStruct((2, N, CH), _f32),
    mesh=_mesh,
    scratch_types=[
        pltpu.VMEM_SHARED((N, CH), _f32),
        pltpu.VMEM((2, BA), jnp.int32),
        pltpu.VMEM((2, BA), jnp.int32),
        pltpu.VMEM((BA, CH), _f32),
        pltpu.VMEM((BA, CH), _f32),
        pltpu.SemaphoreType.DMA,
        pltpu.SemaphoreType.DMA,
        pltpu.SemaphoreType.DMA,
        pltpu.SemaphoreType.DMA,
    ],
)
def _agg_kernel(z_hbm, idx_hbm, out_hbm,
                acc_sp, ib0, ib1, rows_v0, rows_v1,
                semi0, semi1, semr0, semr1):
    c = lax.axis_index("c")
    s = lax.axis_index("s")
    w = c * 16 + s
    row0 = pl.multiple_of(RPT * s, 8)
    pltpu.sync_copy(z_hbm.at[pl.ds(row0, RPT)], acc_sp.at[pl.ds(row0, RPT)])

    @pl.when(s == 0)
    def _():
        pltpu.sync_copy(z_hbm.at[pl.ds(16 * RPT, N - 16 * RPT)],
                        acc_sp.at[pl.ds(16 * RPT, N - 16 * RPT)])

    def load_idx(k, ib, semi):
        pltpu.async_copy(idx_hbm.at[w, k], ib, semi)

    def wait_idx(ib, semi):
        pltpu.make_async_copy(idx_hbm.at[w, 0], ib, semi).wait()

    def gather(ib, buf, semr):
        pltpu.async_copy(z_hbm.at[ib.at[0]], buf, semr)

    def wait_rows(buf, semr):
        pltpu.make_async_copy(z_hbm.at[ib0.at[0]], buf, semr).wait()

    def scatter(ib, buf):
        pltpu.sync_copy(buf, acc_sp.at[ib.at[1]], add=True)

    pltpu.sync_copy(idx_hbm.at[w, 0], ib0)
    plsc.subcore_barrier()
    gather(ib0, rows_v0, semr0)
    load_idx(1, ib1, semi1)

    def body(j, carry):
        k = 2 * j
        wait_idx(ib1, semi1)
        gather(ib1, rows_v1, semr1)
        wait_rows(rows_v0, semr0)
        scatter(ib0, rows_v0)
        load_idx(k + 2, ib0, semi0)
        wait_idx(ib0, semi0)
        gather(ib0, rows_v0, semr0)
        wait_rows(rows_v1, semr1)
        scatter(ib1, rows_v1)
        load_idx(k + 3, ib1, semi1)
        return carry

    lax.fori_loop(0, (KA - 2) // 2, body, 0)
    wait_idx(ib1, semi1)
    gather(ib1, rows_v1, semr1)
    wait_rows(rows_v0, semr0)
    scatter(ib0, rows_v0)
    wait_rows(rows_v1, semr1)
    scatter(ib1, rows_v1)
    plsc.subcore_barrier()
    pltpu.sync_copy(acc_sp.at[pl.ds(row0, RPT)],
                    out_hbm.at[c, pl.ds(row0, RPT)])

    @pl.when(s == 0)
    def _():
        pltpu.sync_copy(acc_sp.at[pl.ds(16 * RPT, N - 16 * RPT)],
                        out_hbm.at[c, pl.ds(16 * RPT, N - 16 * RPT)])


def _mm_body(x_ref, w_ref, h0_ref, h1_ref, z_ref):
    d = lax.rsqrt(h0_ref[...] + h1_ref[...] + 1.0)
    z_ref[...] = jnp.dot(x_ref[...], w_ref[...],
                         preferred_element_type=_f32) * d


def _fin_body(a0_ref, a1_ref, z_ref, h0_ref, h1_ref, b_ref, o_ref):
    d = lax.rsqrt(h0_ref[...] + h1_ref[...] + 1.0)
    t = d * (a0_ref[...] + a1_ref[...] - z_ref[...]) + b_ref[...]
    o_ref[...] = jnp.where(t >= 0.0, 2.0 * t, 1.01 * t)


_BM = 400


def _mm(x, W, h0c, h1c):
    return pl.pallas_call(
        _mm_body,
        grid=(N // _BM,),
        in_specs=[
            pl.BlockSpec((_BM, CH), lambda i: (i, 0)),
            pl.BlockSpec((CH, CH), lambda i: (0, 0)),
            pl.BlockSpec((_BM, 1), lambda i: (i, 0)),
            pl.BlockSpec((_BM, 1), lambda i: (i, 0)),
        ],
        out_specs=pl.BlockSpec((_BM, CH), lambda i: (i, 0)),
        out_shape=jax.ShapeDtypeStruct((N, CH), _f32),
    )(x, W, h0c, h1c)


def _fin(a0, a1, z, h0c, h1c, b2):
    return pl.pallas_call(
        _fin_body,
        grid=(N // _BM,),
        in_specs=[
            pl.BlockSpec((_BM, CH), lambda i: (i, 0)),
            pl.BlockSpec((_BM, CH), lambda i: (i, 0)),
            pl.BlockSpec((_BM, CH), lambda i: (i, 0)),
            pl.BlockSpec((_BM, 1), lambda i: (i, 0)),
            pl.BlockSpec((_BM, 1), lambda i: (i, 0)),
            pl.BlockSpec((1, CH), lambda i: (0, 0)),
        ],
        out_specs=pl.BlockSpec((_BM, CH), lambda i: (i, 0)),
        out_shape=jax.ShapeDtypeStruct((N, CH), _f32),
    )(a0, a1, z, h0c, h1c, b2)


@jax.jit
def kernel(x, edges, W, b):
    src = edges[0].astype(jnp.int32).reshape(NW, KA, BA)
    dst = edges[1].astype(jnp.int32).reshape(NW, KA, BA)
    idx = jnp.stack([src, dst], axis=2)
    pad = jnp.broadcast_to(N + jnp.arange(EPAD, dtype=jnp.int32), (NW, EPAD))
    dst_deg = jnp.concatenate(
        [edges[1].astype(jnp.int32).reshape(NW, EPW), pad], axis=1
    ).reshape(NW, KD, BD)
    hist = _deg_kernel(dst_deg)
    h0c = hist[0, :N][:, None]
    h1c = hist[1, :N][:, None]
    z = _mm(x, W, h0c, h1c)
    acc = _agg_kernel(z, idx)
    return _fin(acc[0], acc[1], z, h0c, h1c, b[None, :])

# --- scband reference (transcript-rebuilt; emitter-appended) ---
"""Pipeline reference for scband-gcn-unit-30915174596974 (READ-ONLY COPY).

The authoritative reference and input builder live on the scoring server;
editing this copy changes nothing except your own understanding.
"""

import jax, jax.numpy as jnp
import numpy as np

N_NODES = 10000
N_EDGES = 320000
CH = 128

def setup_inputs(seed: int = 0) -> dict:
    key = jax.random.key(seed)
    k1, k2, k3 = jax.random.split(key, 3)
    x = jax.random.normal(k1, (N_NODES, CH), dtype=jnp.float32)
    edges = jax.random.randint(k2, (2, N_EDGES), 0, N_NODES, dtype=jnp.int64)
    # GCNConv parameters (glorot-style init for weight, zeros for bias)
    W = jax.random.normal(k3, (CH, CH), dtype=jnp.float32) * (1.0 / np.sqrt(CH))
    b = jnp.zeros((CH,), dtype=jnp.float32)
    return {"x": x, "edges": edges, "W": W, "b": b}

def gcn_conv(x, edge_index, W, b):
    # Faithful PyG GCNConv: add self-loops, symmetric normalization, linear, aggregate
    N = x.shape[0]
    loop = jnp.arange(N, dtype=edge_index.dtype)
    src = jnp.concatenate([edge_index[0], loop])
    dst = jnp.concatenate([edge_index[1], loop])
    # linear transform first (as in PyG)
    xw = x @ W
    # degree computed on target nodes with unit edge weights (incl. self loops)
    deg = jnp.zeros((N,), dtype=xw.dtype).at[dst].add(1.0)
    deg_inv_sqrt = jnp.where(deg > 0, 1.0 / jnp.sqrt(deg), 0.0)
    norm = deg_inv_sqrt[src] * deg_inv_sqrt[dst]
    msg = xw[src] * norm[:, None]
    out = jax.ops.segment_sum(msg, dst, num_segments=N)
    return out + b

def leaky_relu(v, negative_slope=0.01):
    return jnp.where(v >= 0, v, negative_slope * v)

def reference(x, edges, W, b):
    temp = gcn_conv(x, edges, W, b)
    out = leaky_relu(temp)
    out = out + temp
    return out

if __name__ == "__main__":
    import jax
    _d = setup_inputs()
    print(jax.jit(kernel)(*tuple(_d.values())))

</pallas_src>

<mosaic_0001>
#map = affine_map<(d0, d1) -> (0, 0, 0)>
#map1 = affine_map<(d0, d1) -> (0, 0)>
module attributes {stable_mosaic.version = 14 : i64} {
  func.func @_deg_kernel(%arg0: i32, %arg1: i32, %arg2: memref<32x80x128xi32, #tpu.memory_space<hbm>>, %arg3: memref<2x10240xf32, #tpu.memory_space<hbm>>, %arg4: memref<10240xf32, #tpu.memory_space<vmem_shared>>, %arg5: memref<80x128xi32, #tpu.memory_space<vmem>>, %arg6: memref<128xf32, #tpu.memory_space<vmem>>, %arg7: memref<640xf32, #tpu.memory_space<vmem>>, %arg8: memref<!tpu.dma_semaphore, #tpu.memory_space<semaphore_mem>>) attributes {dimension_semantics = [#tpu.dimension_semantics<core_parallel>, #tpu.dimension_semantics<subcore_parallel>], iteration_bounds = array<i64: 2, 16>, scalar_prefetch = 0 : i64, scratch_operands = 5 : i64, tpu.core_type = #tpu.core_type<sc_vector_subcore>, window_params = [{transform_indices = #map}, {transform_indices = #map1}]} {
    %broadcast_in_dim3A = arith.constant 0.000000e+00 : f32
    %broadcast_in_dim3A_0 = vector.broadcast %broadcast_in_dim3A : f32 to vector<16xf32>
    %swap3A = arith.constant 0 : index
    %swap3A_1 = tpu.vector_load %arg7[%swap3A] {strides = array<i32>} : memref<640xf32, #tpu.memory_space<vmem>>, vector<16xf32>,
    %swap3A_2 = vector.shape_cast %swap3A_1 : vector<16xf32> to vector<16xf32>
    %swap3A_3 = vector.shape_cast %broadcast_in_dim3A_0 : vector<16xf32> to vector<16xf32>
    tpu.vector_store %arg7[%swap3A], %swap3A_3 {strides = array<i32>} : memref<640xf32, #tpu.memory_space<vmem>>, vector<16xf32>,
    %broadcast_in_dim3A_4 = arith.constant 0.000000e+00 : f32
    %broadcast_in_dim3A_5 = vector.broadcast %broadcast_in_dim3A_4 : f32 to vector<16xf32>
    %swap3A_6 = arith.constant 16 : index
    %swap3A_7 = tpu.vector_load %arg7[%swap3A_6] {strides = array<i32>} : memref<640xf32, #tpu.memory_space<vmem>>, vector<16xf32>,
    %swap3A_8 = vector.shape_cast %swap3A_7 : vector<16xf32> to vector<16xf32>
    %swap3A_9 = vector.shape_cast %broadcast_in_dim3A_5 : vector<16xf32> to vector<16xf32>
    tpu.vector_store %arg7[%swap3A_6], %swap3A_9 {strides = array<i32>} : memref<640xf32, #tpu.memory_space<vmem>>, vector<16xf32>,
    %broadcast_in_dim3A_10 = arith.constant 0.000000e+00 : f32
    %broadcast_in_dim3A_11 = vector.broadcast %broadcast_in_dim3A_10 : f32 to vector<16xf32>
    %swap3A_12 = arith.constant 32 : index
    %swap3A_13 = tpu.vector_load %arg7[%swap3A_12] {strides = array<i32>} : memref<640xf32, #tpu.memory_space<vmem>>, vector<16xf32>,
    %swap3A_14 = vector.shape_cast %swap3A_13 : vector<16xf32> to vector<16xf32>
    %swap3A_15 = vector.shape_cast %broadcast_in_dim3A_11 : vector<16xf32> to vector<16xf32>
    tpu.vector_store %arg7[%swap3A_12], %swap3A_15 {strides = array<i32>} : memref<640xf32, #tpu.memory_space<vmem>>, vector<16xf32>,
    %broadcast_in_dim3A_16 = arith.constant 0.000000e+00 : f32
    %broadcast_in_dim3A_17 = vector.broadcast %broadcast_in_dim3A_16 : f32 to vector<16xf32>
    %swap3A_18 = arith.constant 48 : index
    %swap3A_19 = tpu.vector_load %arg7[%swap3A_18] {strides = array<i32>} : memref<640xf32, #tpu.memory_space<vmem>>, vector<16xf32>,
    %swap3A_20 = vector.shape_cast %swap3A_19 : vector<16xf32> to vector<16xf32>
    %swap3A_21 = vector.shape_cast %broadcast_in_dim3A_17 : vector<16xf32> to vector<16xf32>
    tpu.vector_store %arg7[%swap3A_18], %swap3A_21 {strides = array<i32>} : memref<640xf32, #tpu.memory_space<vmem>>, vector<16xf32>,
    %broadcast_in_dim3A_22 = arith.constant 0.000000e+00 : f32
    %broadcast_in_dim3A_23 = vector.broadcast %broadcast_in_dim3A_22 : f32 to vector<16xf32>
    %swap3A_24 = arith.constant 64 : index
    %swap3A_25 = tpu.vector_load %arg7[%swap3A_24] {strides = array<i32>} : memref<640xf32, #tpu.memory_space<vmem>>, vector<16xf32>,
    %swap3A_26 = vector.shape_cast %swap3A_25 : vector<16xf32> to vector<16xf32>
    %swap3A_27 = vector.shape_cast %broadcast_in_dim3A_23 : vector<16xf32> to vector<16xf32>
    tpu.vector_store %arg7[%swap3A_24], %swap3A_27 {strides = array<i32>} : memref<640xf32, #tpu.memory_space<vmem>>, vector<16xf32>,
    %broadcast_in_dim3A_28 = arith.constant 0.000000e+00 : f32
    %broadcast_in_dim3A_29 = vector.broadcast %broadcast_in_dim3A_28 : f32 to vector<16xf32>
    %swap3A_30 = arith.constant 80 : index
    %swap3A_31 = tpu.vector_load %arg7[%swap3A_30] {strides = array<i32>} : memref<640xf32, #tpu.memory_space<vmem>>, vector<16xf32>,
    %swap3A_32 = vector.shape_cast %swap3A_31 : vector<16xf32> to vector<16xf32>
    %swap3A_33 = vector.shape_cast %broadcast_in_dim3A_29 : vector<16xf32> to vector<16xf32>
    tpu.vector_store %arg7[%swap3A_30], %swap3A_33 {strides = array<i32>} : memref<640xf32, #tpu.memory_space<vmem>>, vector<16xf32>,
    %broadcast_in_dim3A_34 = arith.constant 0.000000e+00 : f32
    %broadcast_in_dim3A_35 = vector.broadcast %broadcast_in_dim3A_34 : f32 to vector<16xf32>
    %swap3A_36 = arith.constant 96 : index
    %swap3A_37 = tpu.vector_load %arg7[%swap3A_36] {strides = array<i32>} : memref<640xf32, #tpu.memory_space<vmem>>, vector<16xf32>,
    %swap3A_38 = vector.shape_cast %swap3A_37 : vector<16xf32> to vector<16xf32>
    %swap3A_39 = vector.shape_cast %broadcast_in_dim3A_35 : vector<16xf32> to vector<16xf32>
    tpu.vector_store %arg7[%swap3A_36], %swap3A_39 {strides = array<i32>} : memref<640xf32, #tpu.memory_space<vmem>>, vector<16xf32>,
    %broadcast_in_dim3A_40 = arith.constant 0.000000e+00 : f32
    %broadcast_in_dim3A_41 = vector.broadcast %broadcast_in_dim3A_40 : f32 to vector<16xf32>
    %swap3A_42 = arith.constant 112 : index
    %swap3A_43 = tpu.vector_load %arg7[%swap3A_42] {strides = array<i32>} : memref<640xf32, #tpu.memory_space<vmem>>, vector<16xf32>,
    %swap3A_44 = vector.shape_cast %swap3A_43 : vector<16xf32> to vector<16xf32>
    %swap3A_45 = vector.shape_cast %broadcast_in_dim3A_41 : vector<16xf32> to vector<16xf32>
    tpu.vector_store %arg7[%swap3A_42], %swap3A_45 {strides = array<i32>} : memref<640xf32, #tpu.memory_space<vmem>>, vector<16xf32>,
    %broadcast_in_dim3A_46 = arith.constant 0.000000e+00 : f32
    %broadcast_in_dim3A_47 = vector.broadcast %broadcast_in_dim3A_46 : f32 to vector<16xf32>
    %swap3A_48 = arith.constant 128 : index
    %swap3A_49 = tpu.vector_load %arg7[%swap3A_48] {strides = array<i32>} : memref<640xf32, #tpu.memory_space<vmem>>, vector<16xf32>,
    %swap3A_50 = vector.shape_cast %swap3A_49 : vector<16xf32> to vector<16xf32>
    %swap3A_51 = vector.shape_cast %broadcast_in_dim3A_47 : vector<16xf32> to vector<16xf32>
    tpu.vector_store %arg7[%swap3A_48], %swap3A_51 {strides = array<i32>} : memref<640xf32, #tpu.memory_space<vmem>>, vector<16xf32>,
    %broadcast_in_dim3A_52 = arith.constant 0.000000e+00 : f32
    %broadcast_in_dim3A_53 = vector.broadcast %broadcast_in_dim3A_52 : f32 to vector<16xf32>
    %swap3A_54 = arith.constant 144 : index
    %swap3A_55 = tpu.vector_load %arg7[%swap3A_54] {strides = array<i32>} : memref<640xf32, #tpu.memory_space<vmem>>, vector<16xf32>,
    %swap3A_56 = vector.shape_cast %swap3A_55 : vector<16xf32> to vector<16xf32>
    %swap3A_57 = vector.shape_cast %broadcast_in_dim3A_53 : vector<16xf32> to vector<16xf32>
    tpu.vector_store %arg7[%swap3A_54], %swap3A_57 {strides = array<i32>} : memref<640xf32, #tpu.memory_space<vmem>>, vector<16xf32>,
    %broadcast_in_dim3A_58 = arith.constant 0.000000e+00 : f32
    %broadcast_in_dim3A_59 = vector.broadcast %broadcast_in_dim3A_58 : f32 to vector<16xf32>
    %swap3A_60 = arith.constant 160 : index
    %swap3A_61 = tpu.vector_load %arg7[%swap3A_60] {strides = array<i32>} : memref<640xf32, #tpu.memory_space<vmem>>, vector<16xf32>,
    %swap3A_62 = vector.shape_cast %swap3A_61 : vector<16xf32> to vector<16xf32>
    %swap3A_63 = vector.shape_cast %broadcast_in_dim3A_59 : vector<16xf32> to vector<16xf32>
    tpu.vector_store %arg7[%swap3A_60], %swap3A_63 {strides = array<i32>} : memref<640xf32, #tpu.memory_space<vmem>>, vector<16xf32>,
    %broadcast_in_dim3A_64 = arith.constant 0.000000e+00 : f32
    %broadcast_in_dim3A_65 = vector.broadcast %broadcast_in_dim3A_64 : f32 to vector<16xf32>
    %swap3A_66 = arith.constant 176 : index
    %swap3A_67 = tpu.vector_load %arg7[%swap3A_66] {strides = array<i32>} : memref<640xf32, #tpu.memory_space<vmem>>, vector<16xf32>,
    %swap3A_68 = vector.shape_cast %swap3A_67 : vector<16xf32> to vector<16xf32>
    %swap3A_69 = vector.shape_cast %broadcast_in_dim3A_65 : vector<16xf32> to vector<16xf32>
    tpu.vector_store %arg7[%swap3A_66], %swap3A_69 {strides = array<i32>} : memref<640xf32, #tpu.memory_space<vmem>>, vector<16xf32>,
    %broadcast_in_dim3A_70 = arith.constant 0.000000e+00 : f32
    %broadcast_in_dim3A_71 = vector.broadcast %broadcast_in_dim3A_70 : f32 to vector<16xf32>
    %swap3A_72 = arith.constant 192 : index
    %swap3A_73 = tpu.vector_load %arg7[%swap3A_72] {strides = array<i32>} : memref<640xf32, #tpu.memory_space<vmem>>, vector<16xf32>,
    %swap3A_74 = vector.shape_cast %swap3A_73 : vector<16xf32> to vector<16xf32>
    %swap3A_75 = vector.shape_cast %broadcast_in_dim3A_71 : vector<16xf32> to vector<16xf32>
    tpu.vector_store %arg7[%swap3A_72], %swap3A_75 {strides = array<i32>} : memref<640xf32, #tpu.memory_space<vmem>>, vector<16xf32>,
    %broadcast_in_dim3A_76 = arith.constant 0.000000e+00 : f32
    %broadcast_in_dim3A_77 = vector.broadcast %broadcast_in_dim3A_76 : f32 to vector<16xf32>
    %swap3A_78 = arith.constant 208 : index
    %swap3A_79 = tpu.vector_load %arg7[%swap3A_78] {strides = array<i32>} : memref<640xf32, #tpu.memory_space<vmem>>, vector<16xf32>,
    %swap3A_80 = vector.shape_cast %swap3A_79 : vector<16xf32> to vector<16xf32>
    %swap3A_81 = vector.shape_cast %broadcast_in_dim3A_77 : vector<16xf32> to vector<16xf32>
    tpu.vector_store %arg7[%swap3A_78], %swap3A_81 {strides = array<i32>} : memref<640xf32, #tpu.memory_space<vmem>>, vector<16xf32>,
    %broadcast_in_dim3A_82 = arith.constant 0.000000e+00 : f32
    %broadcast_in_dim3A_83 = vector.broadcast %broadcast_in_dim3A_82 : f32 to vector<16xf32>
    %swap3A_84 = arith.constant 224 : index
    %swap3A_85 = tpu.vector_load %arg7[%swap3A_84] {strides = array<i32>} : memref<640xf32, #tpu.memory_space<vmem>>, vector<16xf32>,
    %swap3A_86 = vector.shape_cast %swap3A_85 : vector<16xf32> to vector<16xf32>
    %swap3A_87 = vector.shape_cast %broadcast_in_dim3A_83 : vector<16xf32> to vector<16xf32>
    tpu.vector_store %arg7[%swap3A_84], %swap3A_87 {strides = array<i32>} : memref<640xf32, #tpu.memory_space<vmem>>, vector<16xf32>,
    %broadcast_in_dim3A_88 = arith.constant 0.000000e+00 : f32
    %broadcast_in_dim3A_89 = vector.broadcast %broadcast_in_dim3A_88 : f32 to vector<16xf32>
    %swap3A_90 = arith.constant 240 : index
    %swap3A_91 = tpu.vector_load %arg7[%swap3A_90] {strides = array<i32>} : memref<640xf32, #tpu.memory_space<vmem>>, vector<16xf32>,
    %swap3A_92 = vector.shape_cast %swap3A_91 : vector<16xf32> to vector<16xf32>
    %swap3A_93 = vector.shape_cast %broadcast_in_dim3A_89 : vector<16xf32> to vector<16xf32>
    tpu.vector_store %arg7[%swap3A_90], %swap3A_93 {strides = array<i32>} : memref<640xf32, #tpu.memory_space<vmem>>, vector<16xf32>,
    %broadcast_in_dim3A_94 = arith.constant 0.000000e+00 : f32
    %broadcast_in_dim3A_95 = vector.broadcast %broadcast_in_dim3A_94 : f32 to vector<16xf32>
    %swap3A_96 = arith.constant 256 : index
    %swap3A_97 = tpu.vector_load %arg7[%swap3A_96] {strides = array<i32>} : memref<640xf32, #tpu.memory_space<vmem>>, vector<16xf32>,
    %swap3A_98 = vector.shape_cast %swap3A_97 : vector<16xf32> to vector<16xf32>
    %swap3A_99 = vector.shape_cast %broadcast_in_dim3A_95 : vector<16xf32> to vector<16xf32>
    tpu.vector_store %arg7[%swap3A_96], %swap3A_99 {strides = array<i32>} : memref<640xf32, #tpu.memory_space<vmem>>, vector<16xf32>,
    %broadcast_in_dim3A_100 = arith.constant 0.000000e+00 : f32
    %broadcast_in_dim3A_101 = vector.broadcast %broadcast_in_dim3A_100 : f32 to vector<16xf32>
    %swap3A_102 = arith.constant 272 : index
    %swap3A_103 = tpu.vector_load %arg7[%swap3A_102] {strides = array<i32>} : memref<640xf32, #tpu.memory_space<vmem>>, vector<16xf32>,
    %swap3A_104 = vector.shape_cast %swap3A_103 : vector<16xf32> to vector<16xf32>
    %swap3A_105 = vector.shape_cast %broadcast_in_dim3A_101 : vector<16xf32> to vector<16xf32>
    tpu.vector_store %arg7[%swap3A_102], %swap3A_105 {strides = array<i32>} : memref<640xf32, #tpu.memory_space<vmem>>, vector<16xf32>,
    %broadcast_in_dim3A_106 = arith.constant 0.000000e+00 : f32
    %broadcast_in_dim3A_107 = vector.broadcast %broadcast_in_dim3A_106 : f32 to vector<16xf32>
    %swap3A_108 = arith.constant 288 : index
    %swap3A_109 = tpu.vector_load %arg7[%swap3A_108] {strides = array<i32>} : memref<640xf32, #tpu.memory_space<vmem>>, vector<16xf32>,
    %swap3A_110 = vector.shape_cast %swap3A_109 : vector<16xf32> to vector<16xf32>
    %swap3A_111 = vector.shape_cast %broadcast_in_dim3A_107 : vector<16xf32> to vector<16xf32>
    tpu.vector_store %arg7[%swap3A_108], %swap3A_111 {strides = array<i32>} : memref<640xf32, #tpu.memory_space<vmem>>, vector<16xf32>,
    %broadcast_in_dim3A_112 = arith.constant 0.000000e+00 : f32
    %broadcast_in_dim3A_113 = vector.broadcast %broadcast_in_dim3A_112 : f32 to vector<16xf32>
    %swap3A_114 = arith.constant 304 : index
    %swap3A_115 = tpu.vector_load %arg7[%swap3A_114] {strides = array<i32>} : memref<640xf32, #tpu.memory_space<vmem>>, vector<16xf32>,
    %swap3A_116 = vector.shape_cast %swap3A_115 : vector<16xf32> to vector<16xf32>
    %swap3A_117 = vector.shape_cast %broadcast_in_dim3A_113 : vector<16xf32> to vector<16xf32>
    tpu.vector_store %arg7[%swap3A_114], %swap3A_117 {strides = array<i32>} : memref<640xf32, #tpu.memory_space<vmem>>, vector<16xf32>,
    %broadcast_in_dim3A_118 = arith.constant 0.000000e+00 : f32
    %broadcast_in_dim3A_119 = vector.broadcast %broadcast_in_dim3A_118 : f32 to vector<16xf32>
    %swap3A_120 = arith.constant 320 : index
    %swap3A_121 = tpu.vector_load %arg7[%swap3A_120] {strides = array<i32>} : memref<640xf32, #tpu.memory_space<vmem>>, vector<16xf32>,
    %swap3A_122 = vector.shape_cast %swap3A_121 : vector<16xf32> to vector<16xf32>
    %swap3A_123 = vector.shape_cast %broadcast_in_dim3A_119 : vector<16xf32> to vector<16xf32>
    tpu.vector_store %arg7[%swap3A_120], %swap3A_123 {strides = array<i32>} : memref<640xf32, #tpu.memory_space<vmem>>, vector<16xf32>,
    %broadcast_in_dim3A_124 = arith.constant 0.000000e+00 : f32
    %broadcast_in_dim3A_125 = vector.broadcast %broadcast_in_dim3A_124 : f32 to vector<16xf32>
    %swap3A_126 = arith.constant 336 : index
    %swap3A_127 = tpu.vector_load %arg7[%swap3A_126] {strides = array<i32>} : memref<640xf32, #tpu.memory_space<vmem>>, vector<16xf32>,
    %swap3A_128 = vector.shape_cast %swap3A_127 : vector<16xf32> to vector<16xf32>
    %swap3A_129 = vector.shape_cast %broadcast_in_dim3A_125 : vector<16xf32> to vector<16xf32>
    tpu.vector_store %arg7[%swap3A_126], %swap3A_129 {strides = array<i32>} : memref<640xf32, #tpu.memory_space<vmem>>, vector<16xf32>,
    %broadcast_in_dim3A_130 = arith.constant 0.000000e+00 : f32
    %broadcast_in_dim3A_131 = vector.broadcast %broadcast_in_dim3A_130 : f32 to vector<16xf32>
    %swap3A_132 = arith.constant 352 : index
    %swap3A_133 = tpu.vector_load %arg7[%swap3A_132] {strides = array<i32>} : memref<640xf32, #tpu.memory_space<vmem>>, vector<16xf32>,
    %swap3A_134 = vector.shape_cast %swap3A_133 : vector<16xf32> to vector<16xf32>
    %swap3A_135 = vector.shape_cast %broadcast_in_dim3A_131 : vector<16xf32> to vector<16xf32>
    tpu.vector_store %arg7[%swap3A_132], %swap3A_135 {strides = array<i32>} : memref<640xf32, #tpu.memory_space<vmem>>, vector<16xf32>,
    %broadcast_in_dim3A_136 = arith.constant 0.000000e+00 : f32
    %broadcast_in_dim3A_137 = vector.broadcast %broadcast_in_dim3A_136 : f32 to vector<16xf32>
    %swap3A_138 = arith.constant 368 : index
    %swap3A_139 = tpu.vector_load %arg7[%swap3A_138] {strides = array<i32>} : memref<640xf32, #tpu.memory_space<vmem>>, vector<16xf32>,
    %swap3A_140 = vector.shape_cast %swap3A_139 : vector<16xf32> to vector<16xf32>
    %swap3A_141 = vector.shape_cast %broadcast_in_dim3A_137 : vector<16xf32> to vector<16xf32>
    tpu.vector_store %arg7[%swap3A_138], %swap3A_141 {strides = array<i32>} : memref<640xf32, #tpu.memory_space<vmem>>, vector<16xf32>,
    %broadcast_in_dim3A_142 = arith.constant 0.000000e+00 : f32
    %broadcast_in_dim3A_143 = vector.broadcast %broadcast_in_dim3A_142 : f32 to vector<16xf32>
    %swap3A_144 = arith.constant 384 : index
    %swap3A_145 = tpu.vector_load %arg7[%swap3A_144] {strides = array<i32>} : memref<640xf32, #tpu.memory_space<vmem>>, vector<16xf32>,
    %swap3A_146 = vector.shape_cast %swap3A_145 : vector<16xf32> to vector<16xf32>
    %swap3A_147 = vector.shape_cast %broadcast_in_dim3A_143 : vector<16xf32> to vector<16xf32>
    tpu.vector_store %arg7[%swap3A_144], %swap3A_147 {strides = array<i32>} : memref<640xf32, #tpu.memory_space<vmem>>, vector<16xf32>,
    %broadcast_in_dim3A_148 = arith.constant 0.000000e+00 : f32
    %broadcast_in_dim3A_149 = vector.broadcast %broadcast_in_dim3A_148 : f32 to vector<16xf32>
    %swap3A_150 = arith.constant 400 : index
    %swap3A_151 = tpu.vector_load %arg7[%swap3A_150] {strides = array<i32>} : memref<640xf32, #tpu.memory_space<vmem>>, vector<16xf32>,
    %swap3A_152 = vector.shape_cast %swap3A_151 : vector<16xf32> to vector<16xf32>
    %swap3A_153 = vector.shape_cast %broadcast_in_dim3A_149 : vector<16xf32> to vector<16xf32>
    tpu.vector_store %arg7[%swap3A_150], %swap3A_153 {strides = array<i32>} : memref<640xf32, #tpu.memory_space<vmem>>, vector<16xf32>,
    %broadcast_in_dim3A_154 = arith.constant 0.000000e+00 : f32
    %broadcast_in_dim3A_155 = vector.broadcast %broadcast_in_dim3A_154 : f32 to vector<16xf32>
    %swap3A_156 = arith.constant 416 : index
    %swap3A_157 = tpu.vector_load %arg7[%swap3A_156] {strides = array<i32>} : memref<640xf32, #tpu.memory_space<vmem>>, vector<16xf32>,
    %swap3A_158 = vector.shape_cast %swap3A_157 : vector<16xf32> to vector<16xf32>
    %swap3A_159 = vector.shape_cast %broadcast_in_dim3A_155 : vector<16xf32> to vector<16xf32>
    tpu.vector_store %arg7[%swap3A_156], %swap3A_159 {strides = array<i32>} : memref<640xf32, #tpu.memory_space<vmem>>, vector<16xf32>,
    %broadcast_in_dim3A_160 = arith.constant 0.000000e+00 : f32
    %broadcast_in_dim3A_161 = vector.broadcast %broadcast_in_dim3A_160 : f32 to vector<16xf32>
    %swap3A_162 = arith.constant 432 : index
    %swap3A_163 = tpu.vector_load %arg7[%swap3A_162] {strides = array<i32>} : memref<640xf32, #tpu.memory_space<vmem>>, vector<16xf32>,
    %swap3A_164 = vector.shape_cast %swap3A_163 : vector<16xf32> to vector<16xf32>
    %swap3A_165 = vector.shape_cast %broadcast_in_dim3A_161 : vector<16xf32> to vector<16xf32>
    tpu.vector_store %arg7[%swap3A_162], %swap3A_165 {strides = array<i32>} : memref<640xf32, #tpu.memory_space<vmem>>, vector<16xf32>,
    %broadcast_in_dim3A_166 = arith.constant 0.000000e+00 : f32
    %broadcast_in_dim3A_167 = vector.broadcast %broadcast_in_dim3A_166 : f32 to vector<16xf32>
    %swap3A_168 = arith.constant 448 : index
    %swap3A_169 = tpu.vector_load %arg7[%swap3A_168] {strides = array<i32>} : memref<640xf32, #tpu.memory_space<vmem>>, vector<16xf32>,
    %swap3A_170 = vector.shape_cast %swap3A_169 : vector<16xf32> to vector<16xf32>
    %swap3A_171 = vector.shape_cast %broadcast_in_dim3A_167 : vector<16xf32> to vector<16xf32>
    tpu.vector_store %arg7[%swap3A_168], %swap3A_171 {strides = array<i32>} : memref<640xf32, #tpu.memory_space<vmem>>, vector<16xf32>,
    %broadcast_in_dim3A_172 = arith.constant 0.000000e+00 : f32
    %broadcast_in_dim3A_173 = vector.broadcast %broadcast_in_dim3A_172 : f32 to vector<16xf32>
    %swap3A_174 = arith.constant 464 : index
    %swap3A_175 = tpu.vector_load %arg7[%swap3A_174] {strides = array<i32>} : memref<640xf32, #tpu.memory_space<vmem>>, vector<16xf32>,
    %swap3A_176 = vector.shape_cast %swap3A_175 : vector<16xf32> to vector<16xf32>
    %swap3A_177 = vector.shape_cast %broadcast_in_dim3A_173 : vector<16xf32> to vector<16xf32>
    tpu.vector_store %arg7[%swap3A_174], %swap3A_177 {strides = array<i32>} : memref<640xf32, #tpu.memory_space<vmem>>, vector<16xf32>,
    %broadcast_in_dim3A_178 = arith.constant 0.000000e+00 : f32
    %broadcast_in_dim3A_179 = vector.broadcast %broadcast_in_dim3A_178 : f32 to vector<16xf32>
    %swap3A_180 = arith.constant 480 : index
    %swap3A_181 = tpu.vector_load %arg7[%swap3A_180] {strides = array<i32>} : memref<640xf32, #tpu.memory_space<vmem>>, vector<16xf32>,
    %swap3A_182 = vector.shape_cast %swap3A_181 : vector<16xf32> to vector<16xf32>
    %swap3A_183 = vector.shape_cast %broadcast_in_dim3A_179 : vector<16xf32> to vector<16xf32>
    tpu.vector_store %arg7[%swap3A_180], %swap3A_183 {strides = array<i32>} : memref<640xf32, #tpu.memory_space<vmem>>, vector<16xf32>,
    %broadcast_in_dim3A_184 = arith.constant 0.000000e+00 : f32
    %broadcast_in_dim3A_185 = vector.broadcast %broadcast_in_dim3A_184 : f32 to vector<16xf32>
    %swap3A_186 = arith.constant 496 : index
    %swap3A_187 = tpu.vector_load %arg7[%swap3A_186] {strides = array<i32>} : memref<640xf32, #tpu.memory_space<vmem>>, vector<16xf32>,
    %swap3A_188 = vector.shape_cast %swap3A_187 : vector<16xf32> to vector<16xf32>
    %swap3A_189 = vector.shape_cast %broadcast_in_dim3A_185 : vector<16xf32> to vector<16xf32>
    tpu.vector_store %arg7[%swap3A_186], %swap3A_189 {strides = array<i32>} : memref<640xf32, #tpu.memory_space<vmem>>, vector<16xf32>,
    %broadcast_in_dim3A_190 = arith.constant 0.000000e+00 : f32
    %broadcast_in_dim3A_191 = vector.broadcast %broadcast_in_dim3A_190 : f32 to vector<16xf32>
    %swap3A_192 = arith.constant 512 : index
    %swap3A_193 = tpu.vector_load %arg7[%swap3A_192] {strides = array<i32>} : memref<640xf32, #tpu.memory_space<vmem>>, vector<16xf32>,
    %swap3A_194 = vector.shape_cast %swap3A_193 : vector<16xf32> to vector<16xf32>
    %swap3A_195 = vector.shape_cast %broadcast_in_dim3A_191 : vector<16xf32> to vector<16xf32>
    tpu.vector_store %arg7[%swap3A_192], %swap3A_195 {strides = array<i32>} : memref<640xf32, #tpu.memory_space<vmem>>, vector<16xf32>,
    %broadcast_in_dim3A_196 = arith.constant 0.000000e+00 : f32
    %broadcast_in_dim3A_197 = vector.broadcast %broadcast_in_dim3A_196 : f32 to vector<16xf32>
    %swap3A_198 = arith.constant 528 : index
    %swap3A_199 = tpu.vector_load %arg7[%swap3A_198] {strides = array<i32>} : memref<640xf32, #tpu.memory_space<vmem>>, vector<16xf32>,
    %swap3A_200 = vector.shape_cast %swap3A_199 : vector<16xf32> to vector<16xf32>
    %swap3A_201 = vector.shape_cast %broadcast_in_dim3A_197 : vector<16xf32> to vector<16xf32>
    tpu.vector_store %arg7[%swap3A_198], %swap3A_201 {strides = array<i32>} : memref<640xf32, #tpu.memory_space<vmem>>, vector<16xf32>,
    %broadcast_in_dim3A_202 = arith.constant 0.000000e+00 : f32
    %broadcast_in_dim3A_203 = vector.broadcast %broadcast_in_dim3A_202 : f32 to vector<16xf32>
    %swap3A_204 = arith.constant 544 : index
    %swap3A_205 = tpu.vector_load %arg7[%swap3A_204] {strides = array<i32>} : memref<640xf32, #tpu.memory_space<vmem>>, vector<16xf32>,
    %swap3A_206 = vector.shape_cast %swap3A_205 : vector<16xf32> to vector<16xf32>
    %swap3A_207 = vector.shape_cast %broadcast_in_dim3A_203 : vector<16xf32> to vector<16xf32>
    tpu.vector_store %arg7[%swap3A_204], %swap3A_207 {strides = array<i32>} : memref<640xf32, #tpu.memory_space<vmem>>, vector<16xf32>,
    %broadcast_in_dim3A_208 = arith.constant 0.000000e+00 : f32
    %broadcast_in_dim3A_209 = vector.broadcast %broadcast_in_dim3A_208 : f32 to vector<16xf32>
    %swap3A_210 = arith.constant 560 : index
    %swap3A_211 = tpu.vector_load %arg7[%swap3A_210] {strides = array<i32>} : memref<640xf32, #tpu.memory_space<vmem>>, vector<16xf32>,
    %swap3A_212 = vector.shape_cast %swap3A_211 : vector<16xf32> to vector<16xf32>
    %swap3A_213 = vector.shape_cast %broadcast_in_dim3A_209 : vector<16xf32> to vector<16xf32>
    tpu.vector_store %arg7[%swap3A_210], %swap3A_213 {strides = array<i32>} : memref<640xf32, #tpu.memory_space<vmem>>, vector<16xf32>,
    %broadcast_in_dim3A_214 = arith.constant 0.000000e+00 : f32
    %broadcast_in_dim3A_215 = vector.broadcast %broadcast_in_dim3A_214 : f32 to vector<16xf32>
    %swap3A_216 = arith.constant 576 : index
    %swap3A_217 = tpu.vector_load %arg7[%swap3A_216] {strides = array<i32>} : memref<640xf32, #tpu.memory_space<vmem>>, vector<16xf32>,
    %swap3A_218 = vector.shape_cast %swap3A_217 : vector<16xf32> to vector<16xf32>
    %swap3A_219 = vector.shape_cast %broadcast_in_dim3A_215 : vector<16xf32> to vector<16xf32>
    tpu.vector_store %arg7[%swap3A_216], %swap3A_219 {strides = array<i32>} : memref<640xf32, #tpu.memory_space<vmem>>, vector<16xf32>,
    %broadcast_in_dim3A_220 = arith.constant 0.000000e+00 : f32
    %broadcast_in_dim3A_221 = vector.broadcast %broadcast_in_dim3A_220 : f32 to vector<16xf32>
    %swap3A_222 = arith.constant 592 : index
    %swap3A_223 = tpu.vector_load %arg7[%swap3A_222] {strides = array<i32>} : memref<640xf32, #tpu.memory_space<vmem>>, vector<16xf32>,
    %swap3A_224 = vector.shape_cast %swap3A_223 : vector<16xf32> to vector<16xf32>
    %swap3A_225 = vector.shape_cast %broadcast_in_dim3A_221 : vector<16xf32> to vector<16xf32>
    tpu.vector_store %arg7[%swap3A_222], %swap3A_225 {strides = array<i32>} : memref<640xf32, #tpu.memory_space<vmem>>, vector<16xf32>,
    %broadcast_in_dim3A_226 = arith.constant 0.000000e+00 : f32
    %broadcast_in_dim3A_227 = vector.broadcast %broadcast_in_dim3A_226 : f32 to vector<16xf32>
    %swap3A_228 = arith.constant 608 : index
    %swap3A_229 = tpu.vector_load %arg7[%swap3A_228] {strides = array<i32>} : memref<640xf32, #tpu.memory_space<vmem>>, vector<16xf32>,
    %swap3A_230 = vector.shape_cast %swap3A_229 : vector<16xf32> to vector<16xf32>
    %swap3A_231 = vector.shape_cast %broadcast_in_dim3A_227 : vector<16xf32> to vector<16xf32>
    tpu.vector_store %arg7[%swap3A_228], %swap3A_231 {strides = array<i32>} : memref<640xf32, #tpu.memory_space<vmem>>, vector<16xf32>,
    %broadcast_in_dim3A_232 = arith.constant 0.000000e+00 : f32
    %broadcast_in_dim3A_233 = vector.broadcast %broadcast_in_dim3A_232 : f32 to vector<16xf32>
    %swap3A_234 = arith.constant 624 : index
    %swap3A_235 = tpu.vector_load %arg7[%swap3A_234] {strides = array<i32>} : memref<640xf32, #tpu.memory_space<vmem>>, vector<16xf32>,
    %swap3A_236 = vector.shape_cast %swap3A_235 : vector<16xf32> to vector<16xf32>
    %swap3A_237 = vector.shape_cast %broadcast_in_dim3A_233 : vector<16xf32> to vector<16xf32>
    tpu.vector_store %arg7[%swap3A_234], %swap3A_237 {strides = array<i32>} : memref<640xf32, #tpu.memory_space<vmem>>, vector<16xf32>,
    %mul3A = arith.constant 640 : i32
    %mul3A_238 = arith.muli %mul3A, %arg1 : i32
    "tpu.region"() ({
      %run_scoped3A = tpu.sem_alloc : memref<!tpu.dma_semaphore, #tpu.memory_space<semaphore_mem>>
      %dma_start3A = tpu.memref_slice %arg4[%mul3A_238] : memref<10240xf32, #tpu.memory_space<vmem_shared>> -> memref<640xf32, #tpu.memory_space<vmem_shared>>
      %dma_start3A_303 = tpu.memref_slice %arg4[%mul3A_238] : memref<10240xf32, #tpu.memory_space<vmem_shared>> -> memref<640xf32, #tpu.memory_space<vmem_shared>>
      tpu.enqueue_dma source(%arg7 : memref<640xf32, #tpu.memory_space<vmem>>) target(%dma_start3A_303 : memref<640xf32, #tpu.memory_space<vmem_shared>>) target_semaphore(%run_scoped3A : memref<!tpu.dma_semaphore, #tpu.memory_space<semaphore_mem>>)
      %dma_wait3A = tpu.memref_slice %arg4[%mul3A_238] : memref<10240xf32, #tpu.memory_space<vmem_shared>> -> memref<640xf32, #tpu.memory_space<vmem_shared>>
      %dma_wait3A_304 = tpu.memref_slice %arg4[%mul3A_238] : memref<10240xf32, #tpu.memory_space<vmem_shared>> -> memref<640xf32, #tpu.memory_space<vmem_shared>>
      tpu.wait_dma2 semaphore(%run_scoped3A : memref<!tpu.dma_semaphore, #tpu.memory_space<semaphore_mem>>) src(%arg7 : memref<640xf32, #tpu.memory_space<vmem>>) dst(%dma_wait3A_304 : memref<640xf32, #tpu.memory_space<vmem_shared>>)
      tpu.yield
    }) : () -> ()
    %broadcast_in_dim3A_239 = arith.constant 1.000000e+00 : f32
    %broadcast_in_dim3A_240 = vector.broadcast %broadcast_in_dim3A_239 : f32 to vector<16xf32>
    %swap3A_241 = arith.constant 0 : index
    %swap3A_242 = tpu.vector_load %arg6[%swap3A_241] {strides = array<i32>} : memref<128xf32, #tpu.memory_space<vmem>>, vector<16xf32>,
    %swap3A_243 = vector.shape_cast %swap3A_242 : vector<16xf32> to vector<16xf32>
    %swap3A_244 = vector.shape_cast %broadcast_in_dim3A_240 : vector<16xf32> to vector<16xf32>
    tpu.vector_store %arg6[%swap3A_241], %swap3A_244 {strides = array<i32>} : memref<128xf32, #tpu.memory_space<vmem>>, vector<16xf32>,
    %broadcast_in_dim3A_245 = arith.constant 1.000000e+00 : f32
    %broadcast_in_dim3A_246 = vector.broadcast %broadcast_in_dim3A_245 : f32 to vector<16xf32>
    %swap3A_247 = arith.constant 16 : index
    %swap3A_248 = tpu.vector_load %arg6[%swap3A_247] {strides = array<i32>} : memref<128xf32, #tpu.memory_space<vmem>>, vector<16xf32>,
    %swap3A_249 = vector.shape_cast %swap3A_248 : vector<16xf32> to vector<16xf32>
    %swap3A_250 = vector.shape_cast %broadcast_in_dim3A_246 : vector<16xf32> to vector<16xf32>
    tpu.vector_store %arg6[%swap3A_247], %swap3A_250 {strides = array<i32>} : memref<128xf32, #tpu.memory_space<vmem>>, vector<16xf32>,
    %broadcast_in_dim3A_251 = arith.constant 1.000000e+00 : f32
    %broadcast_in_dim3A_252 = vector.broadcast %broadcast_in_dim3A_251 : f32 to vector<16xf32>
    %swap3A_253 = arith.constant 32 : index
    %swap3A_254 = tpu.vector_load %arg6[%swap3A_253] {strides = array<i32>} : memref<128xf32, #tpu.memory_space<vmem>>, vector<16xf32>,
    %swap3A_255 = vector.shape_cast %swap3A_254 : vector<16xf32> to vector<16xf32>
    %swap3A_256 = vector.shape_cast %broadcast_in_dim3A_252 : vector<16xf32> to vector<16xf32>
    tpu.vector_store %arg6[%swap3A_253], %swap3A_256 {strides = array<i32>} : memref<128xf32, #tpu.memory_space<vmem>>, vector<16xf32>,
    %broadcast_in_dim3A_257 = arith.constant 1.000000e+00 : f32
    %broadcast_in_dim3A_258 = vector.broadcast %broadcast_in_dim3A_257 : f32 to vector<16xf32>
    %swap3A_259 = arith.constant 48 : index
    %swap3A_260 = tpu.vector_load %arg6[%swap3A_259] {strides = array<i32>} : memref<128xf32, #tpu.memory_space<vmem>>, vector<16xf32>,
    %swap3A_261 = vector.shape_cast %swap3A_260 : vector<16xf32> to vector<16xf32>
    %swap3A_262 = vector.shape_cast %broadcast_in_dim3A_258 : vector<16xf32> to vector<16xf32>
    tpu.vector_store %arg6[%swap3A_259], %swap3A_262 {strides = array<i32>} : memref<128xf32, #tpu.memory_space<vmem>>, vector<16xf32>,
    %broadcast_in_dim3A_263 = arith.constant 1.000000e+00 : f32
    %broadcast_in_dim3A_264 = vector.broadcast %broadcast_in_dim3A_263 : f32 to vector<16xf32>
    %swap3A_265 = arith.constant 64 : index
    %swap3A_266 = tpu.vector_load %arg6[%swap3A_265] {strides = array<i32>} : memref<128xf32, #tpu.memory_space<vmem>>, vector<16xf32>,
    %swap3A_267 = vector.shape_cast %swap3A_266 : vector<16xf32> to vector<16xf32>
    %swap3A_268 = vector.shape_cast %broadcast_in_dim3A_264 : vector<16xf32> to vector<16xf32>
    tpu.vector_store %arg6[%swap3A_265], %swap3A_268 {strides = array<i32>} : memref<128xf32, #tpu.memory_space<vmem>>, vector<16xf32>,
    %broadcast_in_dim3A_269 = arith.constant 1.000000e+00 : f32
    %broadcast_in_dim3A_270 = vector.broadcast %broadcast_in_dim3A_269 : f32 to vector<16xf32>
    %swap3A_271 = arith.constant 80 : index
    %swap3A_272 = tpu.vector_load %arg6[%swap3A_271] {strides = array<i32>} : memref<128xf32, #tpu.memory_space<vmem>>, vector<16xf32>,
    %swap3A_273 = vector.shape_cast %swap3A_272 : vector<16xf32> to vector<16xf32>
    %swap3A_274 = vector.shape_cast %broadcast_in_dim3A_270 : vector<16xf32> to vector<16xf32>
    tpu.vector_store %arg6[%swap3A_271], %swap3A_274 {strides = array<i32>} : memref<128xf32, #tpu.memory_space<vmem>>, vector<16xf32>,
    %broadcast_in_dim3A_275 = arith.constant 1.000000e+00 : f32
    %broadcast_in_dim3A_276 = vector.broadcast %broadcast_in_dim3A_275 : f32 to vector<16xf32>
    %swap3A_277 = arith.constant 96 : index
    %swap3A_278 = tpu.vector_load %arg6[%swap3A_277] {strides = array<i32>} : memref<128xf32, #tpu.memory_space<vmem>>, vector<16xf32>,
    %swap3A_279 = vector.shape_cast %swap3A_278 : vector<16xf32> to vector<16xf32>
    %swap3A_280 = vector.shape_cast %broadcast_in_dim3A_276 : vector<16xf32> to vector<16xf32>
    tpu.vector_store %arg6[%swap3A_277], %swap3A_280 {strides = array<i32>} : memref<128xf32, #tpu.memory_space<vmem>>, vector<16xf32>,
    %broadcast_in_dim3A_281 = arith.constant 1.000000e+00 : f32
    %broadcast_in_dim3A_282 = vector.broadcast %broadcast_in_dim3A_281 : f32 to vector<16xf32>
    %swap3A_283 = arith.constant 112 : index
    %swap3A_284 = tpu.vector_load %arg6[%swap3A_283] {strides = array<i32>} : memref<128xf32, #tpu.memory_space<vmem>>, vector<16xf32>,
    %swap3A_285 = vector.shape_cast %swap3A_284 : vector<16xf32> to vector<16xf32>
    %swap3A_286 = vector.shape_cast %broadcast_in_dim3A_282 : vector<16xf32> to vector<16xf32>
    tpu.vector_store %arg6[%swap3A_283], %swap3A_286 {strides = array<i32>} : memref<128xf32, #tpu.memory_space<vmem>>, vector<16xf32>,
    %mul3A_287 = arith.constant 16 : i32
    %mul3A_288 = arith.muli %arg0, %mul3A_287 : i32
    %add3A = arith.addi %mul3A_288, %arg1 : i32
    "tpu.region"() ({
      %run_scoped3A = tpu.sem_alloc : memref<!tpu.dma_semaphore, #tpu.memory_space<semaphore_mem>>
      %dma_start3A = arith.constant 0 : i32
      %dma_start3A_303 = arith.constant 0 : i32
      %dma_start3A_304 = tpu.memref_slice %arg2[%add3A, %dma_start3A, %dma_start3A_303] : memref<32x80x128xi32, #tpu.memory_space<hbm>> -> memref<1x80x128xi32, #tpu.memory_space<hbm>>
      %dma_start3A_305 = tpu.memref_squeeze %dma_start3A_304 : memref<1x80x128xi32, #tpu.memory_space<hbm>> -> memref<80x128xi32, #tpu.memory_space<hbm>>
      %dma_start3A_306 = arith.constant 0 : i32
      %dma_start3A_307 = arith.constant 0 : i32
      %dma_start3A_308 = tpu.memref_slice %arg2[%add3A, %dma_start3A_306, %dma_start3A_307] : memref<32x80x128xi32, #tpu.memory_space<hbm>> -> memref<1x80x128xi32, #tpu.memory_space<hbm>>
      %dma_start3A_309 = tpu.memref_squeeze %dma_start3A_308 : memref<1x80x128xi32, #tpu.memory_space<hbm>> -> memref<80x128xi32, #tpu.memory_space<hbm>>
      tpu.enqueue_dma source(%dma_start3A_309 : memref<80x128xi32, #tpu.memory_space<hbm>>) target(%arg5 : memref<80x128xi32, #tpu.memory_space<vmem>>) target_semaphore(%run_scoped3A : memref<!tpu.dma_semaphore, #tpu.memory_space<semaphore_mem>>)
      %dma_wait3A = arith.constant 0 : i32
      %dma_wait3A_310 = arith.constant 0 : i32
      %dma_wait3A_311 = tpu.memref_slice %arg2[%add3A, %dma_wait3A, %dma_wait3A_310] : memref<32x80x128xi32, #tpu.memory_space<hbm>> -> memref<1x80x128xi32, #tpu.memory_space<hbm>>
      %dma_wait3A_312 = tpu.memref_squeeze %dma_wait3A_311 : memref<1x80x128xi32, #tpu.memory_space<hbm>> -> memref<80x128xi32, #tpu.memory_space<hbm>>
      %dma_wait3A_313 = arith.constant 0 : i32
      %dma_wait3A_314 = arith.constant 0 : i32
      %dma_wait3A_315 = tpu.memref_slice %arg2[%add3A, %dma_wait3A_313, %dma_wait3A_314] : memref<32x80x128xi32, #tpu.memory_space<hbm>> -> memref<1x80x128xi32, #tpu.memory_space<hbm>>
      %dma_wait3A_316 = tpu.memref_squeeze %dma_wait3A_315 : memref<1x80x128xi32, #tpu.memory_space<hbm>> -> memref<80x128xi32, #tpu.memory_space<hbm>>
      tpu.wait_dma2 semaphore(%run_scoped3A : memref<!tpu.dma_semaphore, #tpu.memory_space<semaphore_mem>>) src(%dma_wait3A_316 : memref<80x128xi32, #tpu.memory_space<hbm>>) dst(%arg5 : memref<80x128xi32, #tpu.memory_space<vmem>>)
      tpu.yield
    }) : () -> ()
    %barrier3A = arith.constant 0 : index
    tpu.barrier barrier_id(%barrier3A)
    %scan3A = arith.constant 0 : i32
    %scan3A_289 = arith.constant 0 : i32
    %scan3A_290 = arith.constant 80 : i32
    %scan3A_291 = arith.addi %scan3A_289, %scan3A_290 : i32
    %scan3A_292 = arith.constant 1 : i32
    scf.for %scan3A_303 = %scan3A_289 to %scan3A_291 step %scan3A_292  : i32 {
      %dma_start3A = arith.constant 0 : i32
      %dma_start3A_304 = tpu.memref_slice %arg5[%scan3A_303, %dma_start3A] : memref<80x128xi32, #tpu.memory_space<vmem>> -> memref<1x128xi32, #tpu.memory_space<vmem>>
      %dma_start3A_305 = tpu.memref_squeeze %dma_start3A_304 : memref<1x128xi32, #tpu.memory_space<vmem>> -> memref<128xi32, #tpu.memory_space<vmem>>
      %dma_start3A_306 = arith.constant 0 : i32
      %dma_start3A_307 = tpu.memref_slice %arg4[%dma_start3A_306] : memref<10240xf32, #tpu.memory_space<vmem_shared>> -> memref<10240xf32, #tpu.memory_space<vmem_shared>>
      tpu.enqueue_indirect_dma source(%arg6 : memref<128xf32, #tpu.memory_space<vmem>>) target(%dma_start3A_307 : memref<10240xf32, #tpu.memory_space<vmem_shared>>) offsets(%dma_start3A_305 : memref<128xi32, #tpu.memory_space<vmem>>) semaphore(%arg8 : memref<!tpu.dma_semaphore, #tpu.memory_space<semaphore_mem>>) {add = true}
    }
    %scan3A_293 = arith.constant 80 : i32
    %scan3A_294 = arith.constant 0 : i32
    %scan3A_295 = arith.constant 0 : i32
    %scan3A_296 = arith.constant 80 : i32
    %scan3A_297 = arith.addi %scan3A_295, %scan3A_296 : i32
    %scan3A_298 = arith.constant 1 : i32
    scf.for %scan3A_303 = %scan3A_295 to %scan3A_297 step %scan3A_298  : i32 {
      %dma_wait3A = arith.constant 0 : i32
      %dma_wait3A_304 = arith.constant 0 : i32
      %dma_wait3A_305 = tpu.memref_slice %arg5[%dma_wait3A, %dma_wait3A_304] : memref<80x128xi32, #tpu.memory_space<vmem>> -> memref<1x128xi32, #tpu.memory_space<vmem>>
      %dma_wait3A_306 = tpu.memref_squeeze %dma_wait3A_305 : memref<1x128xi32, #tpu.memory_space<vmem>> -> memref<128xi32, #tpu.memory_space<vmem>>
      %dma_wait3A_307 = arith.constant 0 : i32
      %dma_wait3A_308 = tpu.memref_slice %arg4[%dma_wait3A_307] : memref<10240xf32, #tpu.memory_space<vmem_shared>> -> memref<10240xf32, #tpu.memory_space<vmem_shared>>
      tpu.wait_indirect_dma semaphore(%arg8 : memref<!tpu.dma_semaphore, #tpu.memory_space<semaphore_mem>>) src(%arg6 : memref<128xf32, #tpu.memory_space<vmem>>) dst(%dma_wait3A_308 : memref<10240xf32, #tpu.memory_space<vmem_shared>>)
    }
    %scan3A_299 = arith.constant 80 : i32
    %barrier3A_300 = arith.constant 0 : index
    tpu.barrier barrier_id(%barrier3A_300)
    %eq3A = arith.constant 0 : i32
    %eq3A_301 = arith.cmpi eq, %arg1, %eq3A : i32
    %convert_element_type3A = arith.extui %eq3A_301 : i1 to i32
    %cond3A = arith.constant 0 : i32
    %cond3A_302 = arith.cmpi ne, %convert_element_type3A, %cond3A : i32
    scf.if %cond3A_302 {
      "tpu.region"() ({
        %run_scoped3A = tpu.sem_alloc : memref<!tpu.dma_semaphore, #tpu.memory_space<semaphore_mem>>
        %dma_start3A = arith.constant 0 : i32
        %dma_start3A_303 = tpu.memref_slice %arg3[%arg0, %dma_start3A] : memref<2x10240xf32, #tpu.memory_space<hbm>> -> memref<1x10240xf32, #tpu.memory_space<hbm>>
        %dma_start3A_304 = tpu.memref_squeeze %dma_start3A_303 : memref<1x10240xf32, #tpu.memory_space<hbm>> -> memref<10240xf32, #tpu.memory_space<hbm>>
        tpu.enqueue_dma source(%arg4 : memref<10240xf32, #tpu.memory_space<vmem_shared>>) target(%dma_start3A_304 : memref<10240xf32, #tpu.memory_space<hbm>>) target_semaphore(%run_scoped3A : memref<!tpu.dma_semaphore, #tpu.memory_space<semaphore_mem>>)
        %dma_wait3A = arith.constant 0 : i32
        %dma_wait3A_305 = tpu.memref_slice %arg3[%arg0, %dma_wait3A] : memref<2x10240xf32, #tpu.memory_space<hbm>> -> memref<1x10240xf32, #tpu.memory_space<hbm>>
        %dma_wait3A_306 = tpu.memref_squeeze %dma_wait3A_305 : memref<1x10240xf32, #tpu.memory_space<hbm>> -> memref<10240xf32, #tpu.memory_space<hbm>>
        tpu.wait_dma2 semaphore(%run_scoped3A : memref<!tpu.dma_semaphore, #tpu.memory_space<semaphore_mem>>) src(%arg4 : memref<10240xf32, #tpu.memory_space<vmem_shared>>) dst(%dma_wait3A_306 : memref<10240xf32, #tpu.memory_space<hbm>>)
        tpu.yield
      }) : () -> ()
    } else {
    }
    return
  }
}

#map = affine_map<(d0, d1) -> (0, 0)>
#map1 = affine_map<(d0, d1) -> (0, 0, 0, 0)>
#map2 = affine_map<(d0, d1) -> (0, 0, 0)>
module attributes {stable_mosaic.version = 14 : i64} {
  func.func @_agg_kernel(%arg0: i32, %arg1: i32, %arg2: memref<10000x128xf32, #tpu.memory_space<hbm>>, %arg3: memref<32x80x2x125xi32, #tpu.memory_space<hbm>>, %arg4: memref<2x10000x128xf32, #tpu.memory_space<hbm>>, %arg5: memref<10000x128xf32, #tpu.memory_space<vmem_shared>>, %arg6: memref<2x125xi32, #tpu.memory_space<vmem>>, %arg7: memref<2x125xi32, #tpu.memory_space<vmem>>, %arg8: memref<125x128xf32, #tpu.memory_space<vmem>>, %arg9: memref<125x128xf32, #tpu.memory_space<vmem>>, %arg10: memref<!tpu.dma_semaphore, #tpu.memory_space<semaphore_mem>>, %arg11: memref<!tpu.dma_semaphore, #tpu.memory_space<semaphore_mem>>, %arg12: memref<!tpu.dma_semaphore, #tpu.memory_space<semaphore_mem>>, %arg13: memref<!tpu.dma_semaphore, #tpu.memory_space<semaphore_mem>>) attributes {dimension_semantics = [#tpu.dimension_semantics<core_parallel>, #tpu.dimension_semantics<subcore_parallel>], iteration_bounds = array<i64: 2, 16>, scalar_prefetch = 0 : i64, scratch_operands = 9 : i64, tpu.core_type = #tpu.core_type<sc_vector_subcore>, window_params = [{transform_indices = #map}, {transform_indices = #map1}, {transform_indices = #map2}]} {
    %mul3A = arith.constant 16 : i32
    %mul3A_0 = arith.muli %arg0, %mul3A : i32
    %add3A = arith.addi %mul3A_0, %arg1 : i32
    %mul3A_1 = arith.constant 624 : i32
    %mul3A_2 = arith.muli %mul3A_1, %arg1 : i32
    %multiple_of3A = tpu.assume_multiple %mul3A_2, 8 : i32
    "tpu.region"() ({
      %run_scoped3A_62 = tpu.sem_alloc : memref<!tpu.dma_semaphore, #tpu.memory_space<semaphore_mem>>
      %dma_start3A_63 = arith.constant 0 : i32
      %dma_start3A_64 = tpu.memref_slice %arg5[%multiple_of3A, %dma_start3A_63] : memref<10000x128xf32, #tpu.memory_space<vmem_shared>> -> memref<624x128xf32, #tpu.memory_space<vmem_shared>>
      %dma_start3A_65 = arith.constant 0 : i32
      %dma_start3A_66 = tpu.memref_slice %arg2[%multiple_of3A, %dma_start3A_65] : memref<10000x128xf32, #tpu.memory_space<hbm>> -> memref<624x128xf32, #tpu.memory_space<hbm>>
      tpu.enqueue_dma source(%dma_start3A_66 : memref<624x128xf32, #tpu.memory_space<hbm>>) target(%dma_start3A_64 : memref<624x128xf32, #tpu.memory_space<vmem_shared>>) target_semaphore(%run_scoped3A_62 : memref<!tpu.dma_semaphore, #tpu.memory_space<semaphore_mem>>)
      %dma_wait3A_67 = arith.constant 0 : i32
      %dma_wait3A_68 = tpu.memref_slice %arg5[%multiple_of3A, %dma_wait3A_67] : memref<10000x128xf32, #tpu.memory_space<vmem_shared>> -> memref<624x128xf32, #tpu.memory_space<vmem_shared>>
      %dma_wait3A_69 = arith.constant 0 : i32
      %dma_wait3A_70 = tpu.memref_slice %arg2[%multiple_of3A, %dma_wait3A_69] : memref<10000x128xf32, #tpu.memory_space<hbm>> -> memref<624x128xf32, #tpu.memory_space<hbm>>
      tpu.wait_dma2 semaphore(%run_scoped3A_62 : memref<!tpu.dma_semaphore, #tpu.memory_space<semaphore_mem>>) src(%dma_wait3A_70 : memref<624x128xf32, #tpu.memory_space<hbm>>) dst(%dma_wait3A_68 : memref<624x128xf32, #tpu.memory_space<vmem_shared>>)
      tpu.yield
    }) : () -> ()
    %eq3A = arith.constant 0 : i32
    %eq3A_3 = arith.cmpi eq, %arg1, %eq3A : i32
    %convert_element_type3A = arith.extui %eq3A_3 : i1 to i32
    %cond3A = arith.constant 0 : i32
    %cond3A_4 = arith.cmpi ne, %convert_element_type3A, %cond3A : i32
    scf.if %cond3A_4 {
      "tpu.region"() ({
        %run_scoped3A_62 = tpu.sem_alloc : memref<!tpu.dma_semaphore, #tpu.memory_space<semaphore_mem>>
        %dma_start3A_63 = arith.constant 9984 : i32
        %dma_start3A_64 = arith.constant 0 : i32
        %dma_start3A_65 = tpu.memref_slice %arg5[%dma_start3A_63, %dma_start3A_64] : memref<10000x128xf32, #tpu.memory_space<vmem_shared>> -> memref<16x128xf32, #tpu.memory_space<vmem_shared>>
        %dma_start3A_66 = arith.constant 9984 : i32
        %dma_start3A_67 = arith.constant 0 : i32
        %dma_start3A_68 = tpu.memref_slice %arg2[%dma_start3A_66, %dma_start3A_67] : memref<10000x128xf32, #tpu.memory_space<hbm>> -> memref<16x128xf32, #tpu.memory_space<hbm>>
        tpu.enqueue_dma source(%dma_start3A_68 : memref<16x128xf32, #tpu.memory_space<hbm>>) target(%dma_start3A_65 : memref<16x128xf32, #tpu.memory_space<vmem_shared>>) target_semaphore(%run_scoped3A_62 : memref<!tpu.dma_semaphore, #tpu.memory_space<semaphore_mem>>)
        %dma_wait3A_69 = arith.constant 9984 : i32
        %dma_wait3A_70 = arith.constant 0 : i32
        %dma_wait3A_71 = tpu.memref_slice %arg5[%dma_wait3A_69, %dma_wait3A_70] : memref<10000x128xf32, #tpu.memory_space<vmem_shared>> -> memref<16x128xf32, #tpu.memory_space<vmem_shared>>
        %dma_wait3A_72 = arith.constant 9984 : i32
        %dma_wait3A_73 = arith.constant 0 : i32
        %dma_wait3A_74 = tpu.memref_slice %arg2[%dma_wait3A_72, %dma_wait3A_73] : memref<10000x128xf32, #tpu.memory_space<hbm>> -> memref<16x128xf32, #tpu.memory_space<hbm>>
        tpu.wait_dma2 semaphore(%run_scoped3A_62 : memref<!tpu.dma_semaphore, #tpu.memory_space<semaphore_mem>>) src(%dma_wait3A_74 : memref<16x128xf32, #tpu.memory_space<hbm>>) dst(%dma_wait3A_71 : memref<16x128xf32, #tpu.memory_space<vmem_shared>>)
        tpu.yield
      }) : () -> ()
    } else {
    }
    %run_scoped3A = arith.constant 0 : i32
    "tpu.region"() ({
      %run_scoped3A_62 = tpu.sem_alloc : memref<!tpu.dma_semaphore, #tpu.memory_space<semaphore_mem>>
      %dma_start3A_63 = arith.constant 0 : i32
      %dma_start3A_64 = arith.constant 0 : i32
      %dma_start3A_65 = tpu.memref_slice %arg3[%add3A, %run_scoped3A, %dma_start3A_63, %dma_start3A_64] : memref<32x80x2x125xi32, #tpu.memory_space<hbm>> -> memref<1x1x2x125xi32, #tpu.memory_space<hbm>>
      %dma_start3A_66 = tpu.memref_squeeze %dma_start3A_65 : memref<1x1x2x125xi32, #tpu.memory_space<hbm>> -> memref<2x125xi32, #tpu.memory_space<hbm>>
      %dma_start3A_67 = arith.constant 0 : i32
      %dma_start3A_68 = arith.constant 0 : i32
      %dma_start3A_69 = tpu.memref_slice %arg3[%add3A, %run_scoped3A, %dma_start3A_67, %dma_start3A_68] : memref<32x80x2x125xi32, #tpu.memory_space<hbm>> -> memref<1x1x2x125xi32, #tpu.memory_space<hbm>>
      %dma_start3A_70 = tpu.memref_squeeze %dma_start3A_69 : memref<1x1x2x125xi32, #tpu.memory_space<hbm>> -> memref<2x125xi32, #tpu.memory_space<hbm>>
      tpu.enqueue_dma source(%dma_start3A_70 : memref<2x125xi32, #tpu.memory_space<hbm>>) target(%arg6 : memref<2x125xi32, #tpu.memory_space<vmem>>) target_semaphore(%run_scoped3A_62 : memref<!tpu.dma_semaphore, #tpu.memory_space<semaphore_mem>>)
      %dma_wait3A_71 = arith.constant 0 : i32
      %dma_wait3A_72 = arith.constant 0 : i32
      %dma_wait3A_73 = tpu.memref_slice %arg3[%add3A, %run_scoped3A, %dma_wait3A_71, %dma_wait3A_72] : memref<32x80x2x125xi32, #tpu.memory_space<hbm>> -> memref<1x1x2x125xi32, #tpu.memory_space<hbm>>
      %dma_wait3A_74 = tpu.memref_squeeze %dma_wait3A_73 : memref<1x1x2x125xi32, #tpu.memory_space<hbm>> -> memref<2x125xi32, #tpu.memory_space<hbm>>
      %dma_wait3A_75 = arith.constant 0 : i32
      %dma_wait3A_76 = arith.constant 0 : i32
      %dma_wait3A_77 = tpu.memref_slice %arg3[%add3A, %run_scoped3A, %dma_wait3A_75, %dma_wait3A_76] : memref<32x80x2x125xi32, #tpu.memory_space<hbm>> -> memref<1x1x2x125xi32, #tpu.memory_space<hbm>>
      %dma_wait3A_78 = tpu.memref_squeeze %dma_wait3A_77 : memref<1x1x2x125xi32, #tpu.memory_space<hbm>> -> memref<2x125xi32, #tpu.memory_space<hbm>>
      tpu.wait_dma2 semaphore(%run_scoped3A_62 : memref<!tpu.dma_semaphore, #tpu.memory_space<semaphore_mem>>) src(%dma_wait3A_78 : memref<2x125xi32, #tpu.memory_space<hbm>>) dst(%arg6 : memref<2x125xi32, #tpu.memory_space<vmem>>)
      tpu.yield
    }) : () -> ()
    %barrier3A = arith.constant 0 : index
    tpu.barrier barrier_id(%barrier3A)
    %dma_start3A = arith.constant 0 : i32
    %dma_start3A_5 = arith.constant 0 : i32
    %dma_start3A_6 = tpu.memref_slice %arg6[%dma_start3A, %dma_start3A_5] : memref<2x125xi32, #tpu.memory_space<vmem>> -> memref<1x125xi32, #tpu.memory_space<vmem>>
    %dma_start3A_7 = tpu.memref_squeeze %dma_start3A_6 : memref<1x125xi32, #tpu.memory_space<vmem>> -> memref<125xi32, #tpu.memory_space<vmem>>
    %dma_start3A_8 = arith.constant 0 : i32
    %dma_start3A_9 = arith.constant 0 : i32
    %dma_start3A_10 = tpu.memref_slice %arg2[%dma_start3A_8, %dma_start3A_9] : memref<10000x128xf32, #tpu.memory_space<hbm>> -> memref<10000x128xf32, #tpu.memory_space<hbm>>
    tpu.enqueue_indirect_dma source(%dma_start3A_10 : memref<10000x128xf32, #tpu.memory_space<hbm>>) target(%arg8 : memref<125x128xf32, #tpu.memory_space<vmem>>) offsets(%dma_start3A_7 : memref<125xi32, #tpu.memory_space<vmem>>) semaphore(%arg12 : memref<!tpu.dma_semaphore, #tpu.memory_space<semaphore_mem>>)
    %dma_start3A_11 = arith.constant 1 : i32
    %dma_start3A_12 = arith.constant 0 : i32
    %dma_start3A_13 = arith.constant 0 : i32
    %dma_start3A_14 = tpu.memref_slice %arg3[%add3A, %dma_start3A_11, %dma_start3A_12, %dma_start3A_13] : memref<32x80x2x125xi32, #tpu.memory_space<hbm>> -> memref<1x1x2x125xi32, #tpu.memory_space<hbm>>
    %dma_start3A_15 = tpu.memref_squeeze %dma_start3A_14 : memref<1x1x2x125xi32, #tpu.memory_space<hbm>> -> memref<2x125xi32, #tpu.memory_space<hbm>>
    %dma_start3A_16 = arith.constant 0 : i32
    %dma_start3A_17 = arith.constant 0 : i32
    %dma_start3A_18 = tpu.memref_slice %arg3[%add3A, %dma_start3A_11, %dma_start3A_16, %dma_start3A_17] : memref<32x80x2x125xi32, #tpu.memory_space<hbm>> -> memref<1x1x2x125xi32, #tpu.memory_space<hbm>>
    %dma_start3A_19 = tpu.memref_squeeze %dma_start3A_18 : memref<1x1x2x125xi32, #tpu.memory_space<hbm>> -> memref<2x125xi32, #tpu.memory_space<hbm>>
    tpu.enqueue_dma source(%dma_start3A_19 : memref<2x125xi32, #tpu.memory_space<hbm>>) target(%arg7 : memref<2x125xi32, #tpu.memory_space<vmem>>) target_semaphore(%arg11 : memref<!tpu.dma_semaphore, #tpu.memory_space<semaphore_mem>>)
    %scan3A = arith.constant 0 : i32
    %scan3A_20 = arith.constant 0 : i32
    %scan3A_21 = arith.constant 39 : i32
    %scan3A_22 = arith.addi %scan3A_20, %scan3A_21 : i32
    %scan3A_23 = arith.constant 1 : i32
    scf.for %scan3A_62 = %scan3A_20 to %scan3A_22 step %scan3A_23  : i32 {
      %mul3A_63 = arith.constant 2 : i32
      %mul3A_64 = arith.muli %mul3A_63, %scan3A_62 : i32
      %dma_wait3A_65 = arith.constant 0 : i32
      %dma_wait3A_66 = arith.constant 0 : i32
      %dma_wait3A_67 = arith.constant 0 : i32
      %dma_wait3A_68 = tpu.memref_slice %arg3[%add3A, %dma_wait3A_65, %dma_wait3A_66, %dma_wait3A_67] : memref<32x80x2x125xi32, #tpu.memory_space<hbm>> -> memref<1x1x2x125xi32, #tpu.memory_space<hbm>>
      %dma_wait3A_69 = tpu.memref_squeeze %dma_wait3A_68 : memref<1x1x2x125xi32, #tpu.memory_space<hbm>> -> memref<2x125xi32, #tpu.memory_space<hbm>>
      %dma_wait3A_70 = arith.constant 0 : i32
      %dma_wait3A_71 = arith.constant 0 : i32
      %dma_wait3A_72 = tpu.memref_slice %arg3[%add3A, %dma_wait3A_65, %dma_wait3A_70, %dma_wait3A_71] : memref<32x80x2x125xi32, #tpu.memory_space<hbm>> -> memref<1x1x2x125xi32, #tpu.memory_space<hbm>>
      %dma_wait3A_73 = tpu.memref_squeeze %dma_wait3A_72 : memref<1x1x2x125xi32, #tpu.memory_space<hbm>> -> memref<2x125xi32, #tpu.memory_space<hbm>>
      tpu.wait_dma2 semaphore(%arg11 : memref<!tpu.dma_semaphore, #tpu.memory_space<semaphore_mem>>) src(%dma_wait3A_73 : memref<2x125xi32, #tpu.memory_space<hbm>>) dst(%arg7 : memref<2x125xi32, #tpu.memory_space<vmem>>)
      %dma_start3A_74 = arith.constant 0 : i32
      %dma_start3A_75 = arith.constant 0 : i32
      %dma_start3A_76 = tpu.memref_slice %arg7[%dma_start3A_74, %dma_start3A_75] : memref<2x125xi32, #tpu.memory_space<vmem>> -> memref<1x125xi32, #tpu.memory_space<vmem>>
      %dma_start3A_77 = tpu.memref_squeeze %dma_start3A_76 : memref<1x125xi32, #tpu.memory_space<vmem>> -> memref<125xi32, #tpu.memory_space<vmem>>
      %dma_start3A_78 = arith.constant 0 : i32
      %dma_start3A_79 = arith.constant 0 : i32
      %dma_start3A_80 = tpu.memref_slice %arg2[%dma_start3A_78, %dma_start3A_79] : memref<10000x128xf32, #tpu.memory_space<hbm>> -> memref<10000x128xf32, #tpu.memory_space<hbm>>
      tpu.enqueue_indirect_dma source(%dma_start3A_80 : memref<10000x128xf32, #tpu.memory_space<hbm>>) target(%arg9 : memref<125x128xf32, #tpu.memory_space<vmem>>) offsets(%dma_start3A_77 : memref<125xi32, #tpu.memory_space<vmem>>) semaphore(%arg13 : memref<!tpu.dma_semaphore, #tpu.memory_space<semaphore_mem>>)
      %dma_wait3A_81 = arith.constant 0 : i32
      %dma_wait3A_82 = arith.constant 0 : i32
      %dma_wait3A_83 = tpu.memref_slice %arg6[%dma_wait3A_81, %dma_wait3A_82] : memref<2x125xi32, #tpu.memory_space<vmem>> -> memref<1x125xi32, #tpu.memory_space<vmem>>
      %dma_wait3A_84 = tpu.memref_squeeze %dma_wait3A_83 : memref<1x125xi32, #tpu.memory_space<vmem>> -> memref<125xi32, #tpu.memory_space<vmem>>
      %dma_wait3A_85 = arith.constant 0 : i32
      %dma_wait3A_86 = arith.constant 0 : i32
      %dma_wait3A_87 = tpu.memref_slice %arg2[%dma_wait3A_85, %dma_wait3A_86] : memref<10000x128xf32, #tpu.memory_space<hbm>> -> memref<10000x128xf32, #tpu.memory_space<hbm>>
      tpu.wait_indirect_dma semaphore(%arg12 : memref<!tpu.dma_semaphore, #tpu.memory_space<semaphore_mem>>) src(%dma_wait3A_87 : memref<10000x128xf32, #tpu.memory_space<hbm>>) dst(%arg8 : memref<125x128xf32, #tpu.memory_space<vmem>>)
      %run_scoped3A_88 = arith.constant 1 : i32
      "tpu.region"() ({
        %run_scoped3A_133 = tpu.sem_alloc : memref<!tpu.dma_semaphore, #tpu.memory_space<semaphore_mem>>
        %dma_start3A_134 = arith.constant 0 : i32
        %dma_start3A_135 = tpu.memref_slice %arg6[%run_scoped3A_88, %dma_start3A_134] : memref<2x125xi32, #tpu.memory_space<vmem>> -> memref<1x125xi32, #tpu.memory_space<vmem>>
        %dma_start3A_136 = tpu.memref_squeeze %dma_start3A_135 : memref<1x125xi32, #tpu.memory_space<vmem>> -> memref<125xi32, #tpu.memory_space<vmem>>
        %dma_start3A_137 = arith.constant 0 : i32
        %dma_start3A_138 = arith.constant 0 : i32
        %dma_start3A_139 = tpu.memref_slice %arg5[%dma_start3A_137, %dma_start3A_138] : memref<10000x128xf32, #tpu.memory_space<vmem_shared>> -> memref<10000x128xf32, #tpu.memory_space<vmem_shared>>
        tpu.enqueue_indirect_dma source(%arg8 : memref<125x128xf32, #tpu.memory_space<vmem>>) target(%dma_start3A_139 : memref<10000x128xf32, #tpu.memory_space<vmem_shared>>) offsets(%dma_start3A_136 : memref<125xi32, #tpu.memory_space<vmem>>) semaphore(%run_scoped3A_133 : memref<!tpu.dma_semaphore, #tpu.memory_space<semaphore_mem>>) {add = true}
        %dma_wait3A_140 = arith.constant 0 : i32
        %dma_wait3A_141 = tpu.memref_slice %arg6[%run_scoped3A_88, %dma_wait3A_140] : memref<2x125xi32, #tpu.memory_space<vmem>> -> memref<1x125xi32, #tpu.memory_space<vmem>>
        %dma_wait3A_142 = tpu.memref_squeeze %dma_wait3A_141 : memref<1x125xi32, #tpu.memory_space<vmem>> -> memref<125xi32, #tpu.memory_space<vmem>>
        %dma_wait3A_143 = arith.constant 0 : i32
        %dma_wait3A_144 = arith.constant 0 : i32
        %dma_wait3A_145 = tpu.memref_slice %arg5[%dma_wait3A_143, %dma_wait3A_144] : memref<10000x128xf32, #tpu.memory_space<vmem_shared>> -> memref<10000x128xf32, #tpu.memory_space<vmem_shared>>
        tpu.wait_indirect_dma semaphore(%run_scoped3A_133 : memref<!tpu.dma_semaphore, #tpu.memory_space<semaphore_mem>>) src(%arg8 : memref<125x128xf32, #tpu.memory_space<vmem>>) dst(%dma_wait3A_145 : memref<10000x128xf32, #tpu.memory_space<vmem_shared>>)
        tpu.yield
      }) : () -> ()
      %add3A_89 = arith.constant 2 : i32
      %add3A_90 = arith.addi %mul3A_64, %add3A_89 : i32
      %dma_start3A_91 = arith.constant 0 : i32
      %dma_start3A_92 = arith.constant 0 : i32
      %dma_start3A_93 = tpu.memref_slice %arg3[%add3A, %add3A_90, %dma_start3A_91, %dma_start3A_92] : memref<32x80x2x125xi32, #tpu.memory_space<hbm>> -> memref<1x1x2x125xi32, #tpu.memory_space<hbm>>
      %dma_start3A_94 = tpu.memref_squeeze %dma_start3A_93 : memref<1x1x2x125xi32, #tpu.memory_space<hbm>> -> memref<2x125xi32, #tpu.memory_space<hbm>>
      %dma_start3A_95 = arith.constant 0 : i32
      %dma_start3A_96 = arith.constant 0 : i32
      %dma_start3A_97 = tpu.memref_slice %arg3[%add3A, %add3A_90, %dma_start3A_95, %dma_start3A_96] : memref<32x80x2x125xi32, #tpu.memory_space<hbm>> -> memref<1x1x2x125xi32, #tpu.memory_space<hbm>>
      %dma_start3A_98 = tpu.memref_squeeze %dma_start3A_97 : memref<1x1x2x125xi32, #tpu.memory_space<hbm>> -> memref<2x125xi32, #tpu.memory_space<hbm>>
      tpu.enqueue_dma source(%dma_start3A_98 : memref<2x125xi32, #tpu.memory_space<hbm>>) target(%arg6 : memref<2x125xi32, #tpu.memory_space<vmem>>) target_semaphore(%arg10 : memref<!tpu.dma_semaphore, #tpu.memory_space<semaphore_mem>>)
      %dma_wait3A_99 = arith.constant 0 : i32
      %dma_wait3A_100 = arith.constant 0 : i32
      %dma_wait3A_101 = arith.constant 0 : i32
      %dma_wait3A_102 = tpu.memref_slice %arg3[%add3A, %dma_wait3A_99, %dma_wait3A_100, %dma_wait3A_101] : memref<32x80x2x125xi32, #tpu.memory_space<hbm>> -> memref<1x1x2x125xi32, #tpu.memory_space<hbm>>
      %dma_wait3A_103 = tpu.memref_squeeze %dma_wait3A_102 : memref<1x1x2x125xi32, #tpu.memory_space<hbm>> -> memref<2x125xi32, #tpu.memory_space<hbm>>
      %dma_wait3A_104 = arith.constant 0 : i32
      %dma_wait3A_105 = arith.constant 0 : i32
      %dma_wait3A_106 = tpu.memref_slice %arg3[%add3A, %dma_wait3A_99, %dma_wait3A_104, %dma_wait3A_105] : memref<32x80x2x125xi32, #tpu.memory_space<hbm>> -> memref<1x1x2x125xi32, #tpu.memory_space<hbm>>
      %dma_wait3A_107 = tpu.memref_squeeze %dma_wait3A_106 : memref<1x1x2x125xi32, #tpu.memory_space<hbm>> -> memref<2x125xi32, #tpu.memory_space<hbm>>
      tpu.wait_dma2 semaphore(%arg10 : memref<!tpu.dma_semaphore, #tpu.memory_space<semaphore_mem>>) src(%dma_wait3A_107 : memref<2x125xi32, #tpu.memory_space<hbm>>) dst(%arg6 : memref<2x125xi32, #tpu.memory_space<vmem>>)
      %dma_start3A_108 = arith.constant 0 : i32
      %dma_start3A_109 = arith.constant 0 : i32
      %dma_start3A_110 = tpu.memref_slice %arg6[%dma_start3A_108, %dma_start3A_109] : memref<2x125xi32, #tpu.memory_space<vmem>> -> memref<1x125xi32, #tpu.memory_space<vmem>>
      %dma_start3A_111 = tpu.memref_squeeze %dma_start3A_110 : memref<1x125xi32, #tpu.memory_space<vmem>> -> memref<125xi32, #tpu.memory_space<vmem>>
      %dma_start3A_112 = arith.constant 0 : i32
      %dma_start3A_113 = arith.constant 0 : i32
      %dma_start3A_114 = tpu.memref_slice %arg2[%dma_start3A_112, %dma_start3A_113] : memref<10000x128xf32, #tpu.memory_space<hbm>> -> memref<10000x128xf32, #tpu.memory_space<hbm>>
      tpu.enqueue_indirect_dma source(%dma_start3A_114 : memref<10000x128xf32, #tpu.memory_space<hbm>>) target(%arg8 : memref<125x128xf32, #tpu.memory_space<vmem>>) offsets(%dma_start3A_111 : memref<125xi32, #tpu.memory_space<vmem>>) semaphore(%arg12 : memref<!tpu.dma_semaphore, #tpu.memory_space<semaphore_mem>>)
      %dma_wait3A_115 = arith.constant 0 : i32
      %dma_wait3A_116 = arith.constant 0 : i32
      %dma_wait3A_117 = tpu.memref_slice %arg6[%dma_wait3A_115, %dma_wait3A_116] : memref<2x125xi32, #tpu.memory_space<vmem>> -> memref<1x125xi32, #tpu.memory_space<vmem>>
      %dma_wait3A_118 = tpu.memref_squeeze %dma_wait3A_117 : memref<1x125xi32, #tpu.memory_space<vmem>> -> memref<125xi32, #tpu.memory_space<vmem>>
      %dma_wait3A_119 = arith.constant 0 : i32
      %dma_wait3A_120 = arith.constant 0 : i32
      %dma_wait3A_121 = tpu.memref_slice %arg2[%dma_wait3A_119, %dma_wait3A_120] : memref<10000x128xf32, #tpu.memory_space<hbm>> -> memref<10000x128xf32, #tpu.memory_space<hbm>>
      tpu.wait_indirect_dma semaphore(%arg13 : memref<!tpu.dma_semaphore, #tpu.memory_space<semaphore_mem>>) src(%dma_wait3A_121 : memref<10000x128xf32, #tpu.memory_space<hbm>>) dst(%arg9 : memref<125x128xf32, #tpu.memory_space<vmem>>)
      %run_scoped3A_122 = arith.constant 1 : i32
      "tpu.region"() ({
        %run_scoped3A_133 = tpu.sem_alloc : memref<!tpu.dma_semaphore, #tpu.memory_space<semaphore_mem>>
        %dma_start3A_134 = arith.constant 0 : i32
        %dma_start3A_135 = tpu.memref_slice %arg7[%run_scoped3A_122, %dma_start3A_134] : memref<2x125xi32, #tpu.memory_space<vmem>> -> memref<1x125xi32, #tpu.memory_space<vmem>>
        %dma_start3A_136 = tpu.memref_squeeze %dma_start3A_135 : memref<1x125xi32, #tpu.memory_space<vmem>> -> memref<125xi32, #tpu.memory_space<vmem>>
        %dma_start3A_137 = arith.constant 0 : i32
        %dma_start3A_138 = arith.constant 0 : i32
        %dma_start3A_139 = tpu.memref_slice %arg5[%dma_start3A_137, %dma_start3A_138] : memref<10000x128xf32, #tpu.memory_space<vmem_shared>> -> memref<10000x128xf32, #tpu.memory_space<vmem_shared>>
        tpu.enqueue_indirect_dma source(%arg9 : memref<125x128xf32, #tpu.memory_space<vmem>>) target(%dma_start3A_139 : memref<10000x128xf32, #tpu.memory_space<vmem_shared>>) offsets(%dma_start3A_136 : memref<125xi32, #tpu.memory_space<vmem>>) semaphore(%run_scoped3A_133 : memref<!tpu.dma_semaphore, #tpu.memory_space<semaphore_mem>>) {add = true}
        %dma_wait3A_140 = arith.constant 0 : i32
        %dma_wait3A_141 = tpu.memref_slice %arg7[%run_scoped3A_122, %dma_wait3A_140] : memref<2x125xi32, #tpu.memory_space<vmem>> -> memref<1x125xi32, #tpu.memory_space<vmem>>
        %dma_wait3A_142 = tpu.memref_squeeze %dma_wait3A_141 : memref<1x125xi32, #tpu.memory_space<vmem>> -> memref<125xi32, #tpu.memory_space<vmem>>
        %dma_wait3A_143 = arith.constant 0 : i32
        %dma_wait3A_144 = arith.constant 0 : i32
        %dma_wait3A_145 = tpu.memref_slice %arg5[%dma_wait3A_143, %dma_wait3A_144] : memref<10000x128xf32, #tpu.memory_space<vmem_shared>> -> memref<10000x128xf32, #tpu.memory_space<vmem_shared>>
        tpu.wait_indirect_dma semaphore(%run_scoped3A_133 : memref<!tpu.dma_semaphore, #tpu.memory_space<semaphore_mem>>) src(%arg9 : memref<125x128xf32, #tpu.memory_space<vmem>>) dst(%dma_wait3A_145 : memref<10000x128xf32, #tpu.memory_space<vmem_shared>>)
        tpu.yield
      }) : () -> ()
      %add3A_123 = arith.constant 3 : i32
      %add3A_124 = arith.addi %mul3A_64, %add3A_123 : i32
      %dma_start3A_125 = arith.constant 0 : i32
      %dma_start3A_126 = arith.constant 0 : i32
      %dma_start3A_127 = tpu.memref_slice %arg3[%add3A, %add3A_124, %dma_start3A_125, %dma_start3A_126] : memref<32x80x2x125xi32, #tpu.memory_space<hbm>> -> memref<1x1x2x125xi32, #tpu.memory_space<hbm>>
      %dma_start3A_128 = tpu.memref_squeeze %dma_start3A_127 : memref<1x1x2x125xi32, #tpu.memory_space<hbm>> -> memref<2x125xi32, #tpu.memory_space<hbm>>
      %dma_start3A_129 = arith.constant 0 : i32
      %dma_start3A_130 = arith.constant 0 : i32
      %dma_start3A_131 = tpu.memref_slice %arg3[%add3A, %add3A_124, %dma_start3A_129, %dma_start3A_130] : memref<32x80x2x125xi32, #tpu.memory_space<hbm>> -> memref<1x1x2x125xi32, #tpu.memory_space<hbm>>
      %dma_start3A_132 = tpu.memref_squeeze %dma_start3A_131 : memref<1x1x2x125xi32, #tpu.memory_space<hbm>> -> memref<2x125xi32, #tpu.memory_space<hbm>>
      tpu.enqueue_dma source(%dma_start3A_132 : memref<2x125xi32, #tpu.memory_space<hbm>>) target(%arg7 : memref<2x125xi32, #tpu.memory_space<vmem>>) target_semaphore(%arg11 : memref<!tpu.dma_semaphore, #tpu.memory_space<semaphore_mem>>)
    }
    %scan3A_24 = arith.constant 39 : i32
    %dma_wait3A = arith.constant 0 : i32
    %dma_wait3A_25 = arith.constant 0 : i32
    %dma_wait3A_26 = arith.constant 0 : i32
    %dma_wait3A_27 = tpu.memref_slice %arg3[%add3A, %dma_wait3A, %dma_wait3A_25, %dma_wait3A_26] : memref<32x80x2x125xi32, #tpu.memory_space<hbm>> -> memref<1x1x2x125xi32, #tpu.memory_space<hbm>>
    %dma_wait3A_28 = tpu.memref_squeeze %dma_wait3A_27 : memref<1x1x2x125xi32, #tpu.memory_space<hbm>> -> memref<2x125xi32, #tpu.memory_space<hbm>>
    %dma_wait3A_29 = arith.constant 0 : i32
    %dma_wait3A_30 = arith.constant 0 : i32
    %dma_wait3A_31 = tpu.memref_slice %arg3[%add3A, %dma_wait3A, %dma_wait3A_29, %dma_wait3A_30] : memref<32x80x2x125xi32, #tpu.memory_space<hbm>> -> memref<1x1x2x125xi32, #tpu.memory_space<hbm>>
    %dma_wait3A_32 = tpu.memref_squeeze %dma_wait3A_31 : memref<1x1x2x125xi32, #tpu.memory_space<hbm>> -> memref<2x125xi32, #tpu.memory_space<hbm>>
    tpu.wait_dma2 semaphore(%arg11 : memref<!tpu.dma_semaphore, #tpu.memory_space<semaphore_mem>>) src(%dma_wait3A_32 : memref<2x125xi32, #tpu.memory_space<hbm>>) dst(%arg7 : memref<2x125xi32, #tpu.memory_space<vmem>>)
    %dma_start3A_33 = arith.constant 0 : i32
    %dma_start3A_34 = arith.constant 0 : i32
    %dma_start3A_35 = tpu.memref_slice %arg7[%dma_start3A_33, %dma_start3A_34] : memref<2x125xi32, #tpu.memory_space<vmem>> -> memref<1x125xi32, #tpu.memory_space<vmem>>
    %dma_start3A_36 = tpu.memref_squeeze %dma_start3A_35 : memref<1x125xi32, #tpu.memory_space<vmem>> -> memref<125xi32, #tpu.memory_space<vmem>>
    %dma_start3A_37 = arith.constant 0 : i32
    %dma_start3A_38 = arith.constant 0 : i32
    %dma_start3A_39 = tpu.memref_slice %arg2[%dma_start3A_37, %dma_start3A_38] : memref<10000x128xf32, #tpu.memory_space<hbm>> -> memref<10000x128xf32, #tpu.memory_space<hbm>>
    tpu.enqueue_indirect_dma source(%dma_start3A_39 : memref<10000x128xf32, #tpu.memory_space<hbm>>) target(%arg9 : memref<125x128xf32, #tpu.memory_space<vmem>>) offsets(%dma_start3A_36 : memref<125xi32, #tpu.memory_space<vmem>>) semaphore(%arg13 : memref<!tpu.dma_semaphore, #tpu.memory_space<semaphore_mem>>)
    %dma_wait3A_40 = arith.constant 0 : i32
    %dma_wait3A_41 = arith.constant 0 : i32
    %dma_wait3A_42 = tpu.memref_slice %arg6[%dma_wait3A_40, %dma_wait3A_41] : memref<2x125xi32, #tpu.memory_space<vmem>> -> memref<1x125xi32, #tpu.memory_space<vmem>>
    %dma_wait3A_43 = tpu.memref_squeeze %dma_wait3A_42 : memref<1x125xi32, #tpu.memory_space<vmem>> -> memref<125xi32, #tpu.memory_space<vmem>>
    %dma_wait3A_44 = arith.constant 0 : i32
    %dma_wait3A_45 = arith.constant 0 : i32
    %dma_wait3A_46 = tpu.memref_slice %arg2[%dma_wait3A_44, %dma_wait3A_45] : memref<10000x128xf32, #tpu.memory_space<hbm>> -> memref<10000x128xf32, #tpu.memory_space<hbm>>
    tpu.wait_indirect_dma semaphore(%arg12 : memref<!tpu.dma_semaphore, #tpu.memory_space<semaphore_mem>>) src(%dma_wait3A_46 : memref<10000x128xf32, #tpu.memory_space<hbm>>) dst(%arg8 : memref<125x128xf32, #tpu.memory_space<vmem>>)
    %run_scoped3A_47 = arith.constant 1 : i32
    "tpu.region"() ({
      %run_scoped3A_62 = tpu.sem_alloc : memref<!tpu.dma_semaphore, #tpu.memory_space<semaphore_mem>>
      %dma_start3A_63 = arith.constant 0 : i32
      %dma_start3A_64 = tpu.memref_slice %arg6[%run_scoped3A_47, %dma_start3A_63] : memref<2x125xi32, #tpu.memory_space<vmem>> -> memref<1x125xi32, #tpu.memory_space<vmem>>
      %dma_start3A_65 = tpu.memref_squeeze %dma_start3A_64 : memref<1x125xi32, #tpu.memory_space<vmem>> -> memref<125xi32, #tpu.memory_space<vmem>>
      %dma_start3A_66 = arith.constant 0 : i32
      %dma_start3A_67 = arith.constant 0 : i32
      %dma_start3A_68 = tpu.memref_slice %arg5[%dma_start3A_66, %dma_start3A_67] : memref<10000x128xf32, #tpu.memory_space<vmem_shared>> -> memref<10000x128xf32, #tpu.memory_space<vmem_shared>>
      tpu.enqueue_indirect_dma source(%arg8 : memref<125x128xf32, #tpu.memory_space<vmem>>) target(%dma_start3A_68 : memref<10000x128xf32, #tpu.memory_space<vmem_shared>>) offsets(%dma_start3A_65 : memref<125xi32, #tpu.memory_space<vmem>>) semaphore(%run_scoped3A_62 : memref<!tpu.dma_semaphore, #tpu.memory_space<semaphore_mem>>) {add = true}
      %dma_wait3A_69 = arith.constant 0 : i32
      %dma_wait3A_70 = tpu.memref_slice %arg6[%run_scoped3A_47, %dma_wait3A_69] : memref<2x125xi32, #tpu.memory_space<vmem>> -> memref<1x125xi32, #tpu.memory_space<vmem>>
      %dma_wait3A_71 = tpu.memref_squeeze %dma_wait3A_70 : memref<1x125xi32, #tpu.memory_space<vmem>> -> memref<125xi32, #tpu.memory_space<vmem>>
      %dma_wait3A_72 = arith.constant 0 : i32
      %dma_wait3A_73 = arith.constant 0 : i32
      %dma_wait3A_74 = tpu.memref_slice %arg5[%dma_wait3A_72, %dma_wait3A_73] : memref<10000x128xf32, #tpu.memory_space<vmem_shared>> -> memref<10000x128xf32, #tpu.memory_space<vmem_shared>>
      tpu.wait_indirect_dma semaphore(%run_scoped3A_62 : memref<!tpu.dma_semaphore, #tpu.memory_space<semaphore_mem>>) src(%arg8 : memref<125x128xf32, #tpu.memory_space<vmem>>) dst(%dma_wait3A_74 : memref<10000x128xf32, #tpu.memory_space<vmem_shared>>)
      tpu.yield
    }) : () -> ()
    %dma_wait3A_48 = arith.constant 0 : i32
    %dma_wait3A_49 = arith.constant 0 : i32
    %dma_wait3A_50 = tpu.memref_slice %arg6[%dma_wait3A_48, %dma_wait3A_49] : memref<2x125xi32, #tpu.memory_space<vmem>> -> memref<1x125xi32, #tpu.memory_space<vmem>>
    %dma_wait3A_51 = tpu.memref_squeeze %dma_wait3A_50 : memref<1x125xi32, #tpu.memory_space<vmem>> -> memref<125xi32, #tpu.memory_space<vmem>>
    %dma_wait3A_52 = arith.constant 0 : i32
    %dma_wait3A_53 = arith.constant 0 : i32
    %dma_wait3A_54 = tpu.memref_slice %arg2[%dma_wait3A_52, %dma_wait3A_53] : memref<10000x128xf32, #tpu.memory_space<hbm>> -> memref<10000x128xf32, #tpu.memory_space<hbm>>
    tpu.wait_indirect_dma semaphore(%arg13 : memref<!tpu.dma_semaphore, #tpu.memory_space<semaphore_mem>>) src(%dma_wait3A_54 : memref<10000x128xf32, #tpu.memory_space<hbm>>) dst(%arg9 : memref<125x128xf32, #tpu.memory_space<vmem>>)
    %run_scoped3A_55 = arith.constant 1 : i32
    "tpu.region"() ({
      %run_scoped3A_62 = tpu.sem_alloc : memref<!tpu.dma_semaphore, #tpu.memory_space<semaphore_mem>>
      %dma_start3A_63 = arith.constant 0 : i32
      %dma_start3A_64 = tpu.memref_slice %arg7[%run_scoped3A_55, %dma_start3A_63] : memref<2x125xi32, #tpu.memory_space<vmem>> -> memref<1x125xi32, #tpu.memory_space<vmem>>
      %dma_start3A_65 = tpu.memref_squeeze %dma_start3A_64 : memref<1x125xi32, #tpu.memory_space<vmem>> -> memref<125xi32, #tpu.memory_space<vmem>>
      %dma_start3A_66 = arith.constant 0 : i32
      %dma_start3A_67 = arith.constant 0 : i32
      %dma_start3A_68 = tpu.memref_slice %arg5[%dma_start3A_66, %dma_start3A_67] : memref<10000x128xf32, #tpu.memory_space<vmem_shared>> -> memref<10000x128xf32, #tpu.memory_space<vmem_shared>>
      tpu.enqueue_indirect_dma source(%arg9 : memref<125x128xf32, #tpu.memory_space<vmem>>) target(%dma_start3A_68 : memref<10000x128xf32, #tpu.memory_space<vmem_shared>>) offsets(%dma_start3A_65 : memref<125xi32, #tpu.memory_space<vmem>>) semaphore(%run_scoped3A_62 : memref<!tpu.dma_semaphore, #tpu.memory_space<semaphore_mem>>) {add = true}
      %dma_wait3A_69 = arith.constant 0 : i32
      %dma_wait3A_70 = tpu.memref_slice %arg7[%run_scoped3A_55, %dma_wait3A_69] : memref<2x125xi32, #tpu.memory_space<vmem>> -> memref<1x125xi32, #tpu.memory_space<vmem>>
      %dma_wait3A_71 = tpu.memref_squeeze %dma_wait3A_70 : memref<1x125xi32, #tpu.memory_space<vmem>> -> memref<125xi32, #tpu.memory_space<vmem>>
      %dma_wait3A_72 = arith.constant 0 : i32
      %dma_wait3A_73 = arith.constant 0 : i32
      %dma_wait3A_74 = tpu.memref_slice %arg5[%dma_wait3A_72, %dma_wait3A_73] : memref<10000x128xf32, #tpu.memory_space<vmem_shared>> -> memref<10000x128xf32, #tpu.memory_space<vmem_shared>>
      tpu.wait_indirect_dma semaphore(%run_scoped3A_62 : memref<!tpu.dma_semaphore, #tpu.memory_space<semaphore_mem>>) src(%arg9 : memref<125x128xf32, #tpu.memory_space<vmem>>) dst(%dma_wait3A_74 : memref<10000x128xf32, #tpu.memory_space<vmem_shared>>)
      tpu.yield
    }) : () -> ()
    %barrier3A_56 = arith.constant 0 : index
    tpu.barrier barrier_id(%barrier3A_56)
    "tpu.region"() ({
      %run_scoped3A_62 = tpu.sem_alloc : memref<!tpu.dma_semaphore, #tpu.memory_space<semaphore_mem>>
      %dma_start3A_63 = arith.constant 0 : i32
      %dma_start3A_64 = tpu.memref_slice %arg4[%arg0, %multiple_of3A, %dma_start3A_63] : memref<2x10000x128xf32, #tpu.memory_space<hbm>> -> memref<1x624x128xf32, #tpu.memory_space<hbm>>
      %dma_start3A_65 = tpu.memref_squeeze %dma_start3A_64 : memref<1x624x128xf32, #tpu.memory_space<hbm>> -> memref<624x128xf32, #tpu.memory_space<hbm>>
      %dma_start3A_66 = arith.constant 0 : i32
      %dma_start3A_67 = tpu.memref_slice %arg5[%multiple_of3A, %dma_start3A_66] : memref<10000x128xf32, #tpu.memory_space<vmem_shared>> -> memref<624x128xf32, #tpu.memory_space<vmem_shared>>
      tpu.enqueue_dma source(%dma_start3A_67 : memref<624x128xf32, #tpu.memory_space<vmem_shared>>) target(%dma_start3A_65 : memref<624x128xf32, #tpu.memory_space<hbm>>) target_semaphore(%run_scoped3A_62 : memref<!tpu.dma_semaphore, #tpu.memory_space<semaphore_mem>>)
      %dma_wait3A_68 = arith.constant 0 : i32
      %dma_wait3A_69 = tpu.memref_slice %arg4[%arg0, %multiple_of3A, %dma_wait3A_68] : memref<2x10000x128xf32, #tpu.memory_space<hbm>> -> memref<1x624x128xf32, #tpu.memory_space<hbm>>
      %dma_wait3A_70 = tpu.memref_squeeze %dma_wait3A_69 : memref<1x624x128xf32, #tpu.memory_space<hbm>> -> memref<624x128xf32, #tpu.memory_space<hbm>>
      %dma_wait3A_71 = arith.constant 0 : i32
      %dma_wait3A_72 = tpu.memref_slice %arg5[%multiple_of3A, %dma_wait3A_71] : memref<10000x128xf32, #tpu.memory_space<vmem_shared>> -> memref<624x128xf32, #tpu.memory_space<vmem_shared>>
      tpu.wait_dma2 semaphore(%run_scoped3A_62 : memref<!tpu.dma_semaphore, #tpu.memory_space<semaphore_mem>>) src(%dma_wait3A_72 : memref<624x128xf32, #tpu.memory_space<vmem_shared>>) dst(%dma_wait3A_70 : memref<624x128xf32, #tpu.memory_space<hbm>>)
      tpu.yield
    }) : () -> ()
    %eq3A_57 = arith.constant 0 : i32
    %eq3A_58 = arith.cmpi eq, %arg1, %eq3A_57 : i32
    %convert_element_type3A_59 = arith.extui %eq3A_58 : i1 to i32
    %cond3A_60 = arith.constant 0 : i32
    %cond3A_61 = arith.cmpi ne, %convert_element_type3A_59, %cond3A_60 : i32
    scf.if %cond3A_61 {
      "tpu.region"() ({
        %run_scoped3A_62 = tpu.sem_alloc : memref<!tpu.dma_semaphore, #tpu.memory_space<semaphore_mem>>
        %dma_start3A_63 = arith.constant 9984 : i32
        %dma_start3A_64 = arith.constant 0 : i32
        %dma_start3A_65 = tpu.memref_slice %arg4[%arg0, %dma_start3A_63, %dma_start3A_64] : memref<2x10000x128xf32, #tpu.memory_space<hbm>> -> memref<1x16x128xf32, #tpu.memory_space<hbm>>
        %dma_start3A_66 = tpu.memref_squeeze %dma_start3A_65 : memref<1x16x128xf32, #tpu.memory_space<hbm>> -> memref<16x128xf32, #tpu.memory_space<hbm>>
        %dma_start3A_67 = arith.constant 9984 : i32
        %dma_start3A_68 = arith.constant 0 : i32
        %dma_start3A_69 = tpu.memref_slice %arg5[%dma_start3A_67, %dma_start3A_68] : memref<10000x128xf32, #tpu.memory_space<vmem_shared>> -> memref<16x128xf32, #tpu.memory_space<vmem_shared>>
        tpu.enqueue_dma source(%dma_start3A_69 : memref<16x128xf32, #tpu.memory_space<vmem_shared>>) target(%dma_start3A_66 : memref<16x128xf32, #tpu.memory_space<hbm>>) target_semaphore(%run_scoped3A_62 : memref<!tpu.dma_semaphore, #tpu.memory_space<semaphore_mem>>)
        %dma_wait3A_70 = arith.constant 9984 : i32
        %dma_wait3A_71 = arith.constant 0 : i32
        %dma_wait3A_72 = tpu.memref_slice %arg4[%arg0, %dma_wait3A_70, %dma_wait3A_71] : memref<2x10000x128xf32, #tpu.memory_space<hbm>> -> memref<1x16x128xf32, #tpu.memory_space<hbm>>
        %dma_wait3A_73 = tpu.memref_squeeze %dma_wait3A_72 : memref<1x16x128xf32, #tpu.memory_space<hbm>> -> memref<16x128xf32, #tpu.memory_space<hbm>>
        %dma_wait3A_74 = arith.constant 9984 : i32
        %dma_wait3A_75 = arith.constant 0 : i32
        %dma_wait3A_76 = tpu.memref_slice %arg5[%dma_wait3A_74, %dma_wait3A_75] : memref<10000x128xf32, #tpu.memory_space<vmem_shared>> -> memref<16x128xf32, #tpu.memory_space<vmem_shared>>
        tpu.wait_dma2 semaphore(%run_scoped3A_62 : memref<!tpu.dma_semaphore, #tpu.memory_space<semaphore_mem>>) src(%dma_wait3A_76 : memref<16x128xf32, #tpu.memory_space<vmem_shared>>) dst(%dma_wait3A_73 : memref<16x128xf32, #tpu.memory_space<hbm>>)
        tpu.yield
      }) : () -> ()
    } else {
    }
    return
  }
}

module attributes {stable_mosaic.version = 14 : i64} {
  func.func @_mm_body(%arg0: i32, %arg1: memref<400x128xf32, #tpu.memory_space<vmem>>, %arg2: memref<128x128xf32, #tpu.memory_space<vmem>>, %arg3: memref<400x1xf32, #tpu.memory_space<vmem>>, %arg4: memref<400x1xf32, #tpu.memory_space<vmem>>, %arg5: memref<400x128xf32, #tpu.memory_space<vmem>>) attributes {dimension_semantics = [#tpu.dimension_semantics<arbitrary>], iteration_bounds = array<i64: 25>, scalar_prefetch = 0 : i64, scratch_operands = 0 : i64, tpu.core_type = #tpu.core_type<tc>, window_params = [{transform_indices = @transform_0, window_bounds = array<i64: 400, 128>}, {pipeline_mode = #tpu.pipeline_mode<synchronous>, transform_indices = @transform_1, window_bounds = array<i64: 128, 128>}, {transform_indices = @transform_2, window_bounds = array<i64: 400, 1>}, {transform_indices = @transform_3, window_bounds = array<i64: 400, 1>}, {transform_indices = @transform_4, window_bounds = array<i64: 400, 128>}]} {
    %get3A = arith.constant 0 : index
    %get3A_0 = arith.constant 0 : index
    %get3A_1 = vector.load %arg3[%get3A, %get3A_0] : memref<400x1xf32, #tpu.memory_space<vmem>>, vector<400x1xf32>
    %get3A_2 = arith.constant 0 : index
    %get3A_3 = arith.constant 0 : index
    %get3A_4 = vector.load %arg4[%get3A_2, %get3A_3] : memref<400x1xf32, #tpu.memory_space<vmem>>, vector<400x1xf32>
    %add3A = arith.addf %get3A_1, %get3A_4 : vector<400x1xf32>
    %add3A_5 = arith.constant 1.000000e+00 : f32
    %add3A_6 = vector.broadcast %add3A_5 : f32 to vector<400x1xf32>
    %add3A_7 = arith.addf %add3A, %add3A_6 : vector<400x1xf32>
    %rsqrt3A = math.rsqrt %add3A_7 : vector<400x1xf32>
    %get3A_8 = arith.constant 0 : index
    %get3A_9 = arith.constant 0 : index
    %get3A_10 = vector.load %arg1[%get3A_8, %get3A_9] : memref<400x128xf32, #tpu.memory_space<vmem>>, vector<400x128xf32>
    %get3A_11 = arith.constant 0 : index
    %get3A_12 = arith.constant 0 : index
    %get3A_13 = vector.load %arg2[%get3A_11, %get3A_12] : memref<128x128xf32, #tpu.memory_space<vmem>>, vector<128x128xf32>
    %dot_general3A = arith.constant dense<0.000000e+00> : vector<400x128xf32>
    %dot_general3A_14 = tpu.matmul %get3A_10, %get3A_13, %dot_general3A {dimension_numbers = #tpu.dot_dimension_numbers<[1], [0], [0], [1], [0, 0, 1, 1], [], []>, transpose_lhs_hint = false} : vector<400x128xf32>, vector<128x128xf32>, vector<400x128xf32> -> vector<400x128xf32>
    %mul3A = vector.broadcast %rsqrt3A : vector<400x1xf32> to vector<400x128xf32>
    %mul3A_15 = arith.mulf %dot_general3A_14, %mul3A : vector<400x128xf32>
    %swap3A = arith.constant 0 : index
    %swap3A_16 = arith.constant 0 : index
    %swap3A_17 = vector.load %arg5[%swap3A, %swap3A_16] : memref<400x128xf32, #tpu.memory_space<vmem>>, vector<400x128xf32>
    tpu.vector_store %arg5[%swap3A, %swap3A_16], %mul3A_15 {strides = array<i32>} : memref<400x128xf32, #tpu.memory_space<vmem>>, vector<400x128xf32>,
    return
  }
  func.func @transform_0(%arg0: i32) -> (i32, i32) {
    %c0_i32 = arith.constant 0 : i32
    %c0_i32_0 = arith.constant 0 : i32
    return %arg0, %c0_i32 : i32, i32
  }
  func.func @transform_1(%arg0: i32) -> (i32, i32) {
    %c0_i32 = arith.constant 0 : i32
    %c0_i32_0 = arith.constant 0 : i32
    %c0_i32_1 = arith.constant 0 : i32
    return %c0_i32, %c0_i32_0 : i32, i32
  }
  func.func @transform_2(%arg0: i32) -> (i32, i32) {
    %c0_i32 = arith.constant 0 : i32
    %c0_i32_0 = arith.constant 0 : i32
    return %arg0, %c0_i32 : i32, i32
  }
  func.func @transform_3(%arg0: i32) -> (i32, i32) {
    %c0_i32 = arith.constant 0 : i32
    %c0_i32_0 = arith.constant 0 : i32
    return %arg0, %c0_i32 : i32, i32
  }
  func.func @transform_4(%arg0: i32) -> (i32, i32) {
    %c0_i32 = arith.constant 0 : i32
    %c0_i32_0 = arith.constant 0 : i32
    return %arg0, %c0_i32 : i32, i32
  }
}

module attributes {stable_mosaic.version = 14 : i64} {
  func.func @_fin_body(%arg0: i32, %arg1: memref<400x128xf32, #tpu.memory_space<vmem>>, %arg2: memref<400x128xf32, #tpu.memory_space<vmem>>, %arg3: memref<400x128xf32, #tpu.memory_space<vmem>>, %arg4: memref<400x1xf32, #tpu.memory_space<vmem>>, %arg5: memref<400x1xf32, #tpu.memory_space<vmem>>, %arg6: memref<1x128xf32, #tpu.memory_space<vmem>>, %arg7: memref<400x128xf32, #tpu.memory_space<vmem>>) attributes {dimension_semantics = [#tpu.dimension_semantics<arbitrary>], iteration_bounds = array<i64: 25>, scalar_prefetch = 0 : i64, scratch_operands = 0 : i64, tpu.core_type = #tpu.core_type<tc>, window_params = [{transform_indices = @transform_0, window_bounds = array<i64: 400, 128>}, {transform_indices = @transform_1, window_bounds = array<i64: 400, 128>}, {transform_indices = @transform_2, window_bounds = array<i64: 400, 128>}, {transform_indices = @transform_3, window_bounds = array<i64: 400, 1>}, {transform_indices = @transform_4, window_bounds = array<i64: 400, 1>}, {pipeline_mode = #tpu.pipeline_mode<synchronous>, transform_indices = @transform_5, window_bounds = array<i64: 1, 128>}, {transform_indices = @transform_6, window_bounds = array<i64: 400, 128>}]} {
    %get3A = arith.constant 0 : index
    %get3A_0 = arith.constant 0 : index
    %get3A_1 = vector.load %arg4[%get3A, %get3A_0] : memref<400x1xf32, #tpu.memory_space<vmem>>, vector<400x1xf32>
    %get3A_2 = arith.constant 0 : index
    %get3A_3 = arith.constant 0 : index
    %get3A_4 = vector.load %arg5[%get3A_2, %get3A_3] : memref<400x1xf32, #tpu.memory_space<vmem>>, vector<400x1xf32>
    %add3A = arith.addf %get3A_1, %get3A_4 : vector<400x1xf32>
    %add3A_5 = arith.constant 1.000000e+00 : f32
    %add3A_6 = vector.broadcast %add3A_5 : f32 to vector<400x1xf32>
    %add3A_7 = arith.addf %add3A, %add3A_6 : vector<400x1xf32>
    %rsqrt3A = math.rsqrt %add3A_7 : vector<400x1xf32>
    %get3A_8 = arith.constant 0 : index
    %get3A_9 = arith.constant 0 : index
    %get3A_10 = vector.load %arg1[%get3A_8, %get3A_9] : memref<400x128xf32, #tpu.memory_space<vmem>>, vector<400x128xf32>
    %get3A_11 = arith.constant 0 : index
    %get3A_12 = arith.constant 0 : index
    %get3A_13 = vector.load %arg2[%get3A_11, %get3A_12] : memref<400x128xf32, #tpu.memory_space<vmem>>, vector<400x128xf32>
    %add3A_14 = arith.addf %get3A_10, %get3A_13 : vector<400x128xf32>
    %get3A_15 = arith.constant 0 : index
    %get3A_16 = arith.constant 0 : index
    %get3A_17 = vector.load %arg3[%get3A_15, %get3A_16] : memref<400x128xf32, #tpu.memory_space<vmem>>, vector<400x128xf32>
    %sub3A = arith.subf %add3A_14, %get3A_17 : vector<400x128xf32>
    %mul3A = vector.broadcast %rsqrt3A : vector<400x1xf32> to vector<400x128xf32>
    %mul3A_18 = arith.mulf %mul3A, %sub3A : vector<400x128xf32>
    %get3A_19 = arith.constant 0 : index
    %get3A_20 = arith.constant 0 : index
    %get3A_21 = vector.load %arg6[%get3A_19, %get3A_20] : memref<1x128xf32, #tpu.memory_space<vmem>>, vector<1x128xf32>
    %add3A_22 = vector.broadcast %get3A_21 : vector<1x128xf32> to vector<400x128xf32>
    %add3A_23 = arith.addf %mul3A_18, %add3A_22 : vector<400x128xf32>
    %ge3A = arith.constant 0.000000e+00 : f32
    %ge3A_24 = vector.broadcast %ge3A : f32 to vector<400x128xf32>
    %ge3A_25 = arith.cmpf oge, %add3A_23, %ge3A_24 : vector<400x128xf32>
    %mul3A_26 = arith.constant 2.000000e+00 : f32
    %mul3A_27 = vector.broadcast %mul3A_26 : f32 to vector<400x128xf32>
    %mul3A_28 = arith.mulf %mul3A_27, %add3A_23 : vector<400x128xf32>
    %mul3A_29 = arith.constant 1.010000e+00 : f32
    %mul3A_30 = vector.broadcast %mul3A_29 : f32 to vector<400x128xf32>
    %mul3A_31 = arith.mulf %mul3A_30, %add3A_23 : vector<400x128xf32>
    %select_n3A = arith.select %ge3A_25, %mul3A_28, %mul3A_31 : vector<400x128xi1>, vector<400x128xf32>
    %swap3A = arith.constant 0 : index
    %swap3A_32 = arith.constant 0 : index
    %swap3A_33 = vector.load %arg7[%swap3A, %swap3A_32] : memref<400x128xf32, #tpu.memory_space<vmem>>, vector<400x128xf32>
    tpu.vector_store %arg7[%swap3A, %swap3A_32], %select_n3A {strides = array<i32>} : memref<400x128xf32, #tpu.memory_space<vmem>>, vector<400x128xf32>,
    return
  }
  func.func @transform_0(%arg0: i32) -> (i32, i32) {
    %c0_i32 = arith.constant 0 : i32
    %c0_i32_0 = arith.constant 0 : i32
    return %arg0, %c0_i32 : i32, i32
  }
  func.func @transform_1(%arg0: i32) -> (i32, i32) {
    %c0_i32 = arith.constant 0 : i32
    %c0_i32_0 = arith.constant 0 : i32
    return %arg0, %c0_i32 : i32, i32
  }
  func.func @transform_2(%arg0: i32) -> (i32, i32) {
    %c0_i32 = arith.constant 0 : i32
    %c0_i32_0 = arith.constant 0 : i32
    return %arg0, %c0_i32 : i32, i32
  }
  func.func @transform_3(%arg0: i32) -> (i32, i32) {
    %c0_i32 = arith.constant 0 : i32
    %c0_i32_0 = arith.constant 0 : i32
    return %arg0, %c0_i32 : i32, i32
  }
  func.func @transform_4(%arg0: i32) -> (i32, i32) {
    %c0_i32 = arith.constant 0 : i32
    %c0_i32_0 = arith.constant 0 : i32
    return %arg0, %c0_i32 : i32, i32
  }
  func.func @transform_5(%arg0: i32) -> (i32, i32) {
    %c0_i32 = arith.constant 0 : i32
    %c0_i32_0 = arith.constant 0 : i32
    %c0_i32_1 = arith.constant 0 : i32
    return %c0_i32, %c0_i32_0 : i32, i32
  }
  func.func @transform_6(%arg0: i32) -> (i32, i32) {
    %c0_i32 = arith.constant 0 : i32
    %c0_i32_0 = arith.constant 0 : i32
    return %arg0, %c0_i32 : i32, i32
  }
}

</mosaic_0001>

<sc_bundles>
// kernel: kernel.6.cloned.1.call-start
scs
__scs_entry_jumppad:
0x0: {  	(pc) =	sbr.rel $0x88, $3  }
0x1: {  	(tag) =	ssettag $0x0;
	lr =	simm.s32 $0x1  }
0x2: {  	[smem:$0x3F9D] =	sst lr;
	_ =	strace $0xD0000000  }
0x3: {  	_ = 	snop  }
0x4: {  	_ = 	snop  }
0x5: {  	_ = 	snop  }
0x6: {  	_ = 	snop  }
0x7: {  	_ = 	snop  }
__scs_overlays_trampoline_lowered:
0x8: {  	[smem:$0x3FAC] =	sst s0  }
0x9: {  	[smem:$0x3FAD] =	sst s1  }
0xa: {  	[smem:$0x3FAE] =	sst s2  }
0xb: {  	[smem:$0x3FAF] =	sst s3  }
0xc: {  	[smem:$0x3FB0] =	sst s4  }
0xd: {  	[smem:$0x3FB1] =	sst s5  }
0xe: {  	[smem:$0x3FB2] =	sst s6  }
0xf: {  	[smem:$0x3FB3] =	sst s7  }
0x10: {  	[smem:$0x3FB4] =	sst s8  }
0x11: {  	[smem:$0x3FB5] =	sst s9;
	s0 =	simm.s32 @!p0 $0x0  }
0x12: {  	s1 =	sld [smem:$0x3F9B];
	s0 =	simm.s32 @p0 $0x1  }
0x13: {  	[smem:$0x3FB6] =	sst s0;
	s0 =	simm.s32 @!p1 $0x0  }
0x14: {  	s2 =	sld [smem:$0x3F9A];
	s0 =	simm.s32 @p1 $0x1  }
0x15: {  	[smem:$0x3FB7] =	sst s0;
	s0 =	simm.s32 @!p2 $0x0  }
0x16: {  	s3 =	sld [smem:$0x3FDB];
	s0 =	simm.s32 @p2 $0x1  }
0x17: {  	s4 =	simm.s32 $0x1BF5;
	[smem:$0x3FB9] =	sst s0  }
0x18: {  	s0 =	sld [smem:$0x3F9C];
	_ =	swait.ge [sflag:s4], $0x0  }
0x19: {  	s7 =	sld [smem:$0x3F9D]  }
0x1a: {  	s8 =	sadd.s32 $0xFFFFE003, lr  }
0x1b: {  	s9 =	sadd.s32 $0xFFFFFEF7, lr;
	s5 =	simm.s32 $0xFFFFFFFF;
	p2 =	slt.u32 s8, $0xFFFFF086  }
0x1c: {  	p1 =	slt.u32 s9, $0xF7A;
	s5 =	simm.s32 @!p2 $0x0  }
0x1d: {  	s5 =	simm.s32 @p1 $0x1;
	p0 =	seq.s32 s7, s2  }
0x1e: {  	s7 =	smul.u32 @!p0 $0xF7A, s2;
	p2 =	seq.s32 @!p0 s5, $0x0  }
0x1f: {  	s9 =	smul.u32 $0xF7A, s1;
	s8 =	simm.s32 @!p0 $0x1BF5;
	p2 =	por !p2, p0  }
0x20: {  	[sflag:s8] =	ssyncset.s32 @!p0 $0xFFFFF086;
	s6 =	sadd.s32 @!p0 s3, s7;
	s7 =	simm.s32 @!p0 $0x108  }
0x21: {  	s3 =	sadd.s32 s3, s9;
	s6 =	sadd.s32 @!p0 $0x88, s6;
	s7 =	simm.s32 @p2 $0x1082  }
0x22: {  	[simem:s7], [sflag:s8] =	dma.local @!p0 [hbm:s6], $0xF7A  }
0x23: {  	s9 =	sor.u32 $0xD0000000, s2;
	s6 =	simm.s32 $0x108;
	_ =	swait.ge @!p0 [sflag:s8], $0x0  }
0x24: {  	s3 =	sadd.s32 $0x88, s3;
	s6 =	simm.s32 @!p1 $0x1082;
	[sflag:s4] =	ssyncset.s32 $0xFFFFF086  }
0x25: {  	[simem:s6], [sflag:s4] =	dma.local [hbm:s3], $0xF7A  }
0x26: {  	[smem:$0x3F9D] =	sst s1;
	(tag) =	ssettag s2;
	_ =	strace s9  }
0x27: {  	s1 =	sld [smem:$0x3FAD]  }
0x28: {  	s2 =	sld [smem:$0x3FAE]  }
0x29: {  	s4 =	sld [smem:$0x3FB0]  }
0x2a: {  	p0 =	seq.s32 s5, $0x0;
	s5 =	sld [smem:$0x3FB1]  }
0x2b: {  	s6 =	sld [smem:$0x3FB2]  }
0x2c: {  	s7 =	sld [smem:$0x3FB3]  }
0x2d: {  	s3 =	simm.s32 $0x108;
	s8 =	sld [smem:$0x3FB4]  }
0x2e: {  	s3 =	simm.s32 @!p0 $0x1082;
	s9 =	sld [smem:$0x3FB5]  }
0x2f: {  	lr =	sadd.s32 s0, s3;
	s0 =	sld [smem:$0x3FAC]  }
0x30: {  	s3 =	sld [smem:$0x3FAF]  }
0x31: {  	[smem:$0x3FB8] =	sst s10  }
0x32: {  	s10 =	sld [smem:$0x3FB6];
	_ =	sdelay $0x3  }
0x33: {  	p0 =	seq.s32 s10, $0x1;
	s10 =	sld [smem:$0x3FB8];
	_ =	sdelay $0x3  }
0x34: {  	[smem:$0x3FB8] =	sst s10  }
0x35: {  	s10 =	sld [smem:$0x3FB7];
	_ =	sdelay $0x3  }
0x36: {  	p1 =	seq.s32 s10, $0x1;
	s10 =	sld [smem:$0x3FB8];
	_ =	sdelay $0x3  }
0x37: {  	[smem:$0x3FB8] =	sst s10  }
0x38: {  	s10 =	sld [smem:$0x3FB9]  }
0x39: {  	_ = 	snop;
	(pc) =	sbr.ind lr, $3  }
0x3a: {  	_ = 	snop  }
0x3b: {  	_ = 	snop  }
0x3c: {  	p2 =	seq.s32 s10, $0x1;
	s10 =	sld [smem:$0x3FB8]  }
0x3d: {  	_ =	shalt  }
0x3e: {  	_ =	shalt  }
0x3f: {  	_ =	shalt  }
0x40: {  	_ =	shalt  }
0x41: {  	_ =	shalt  }
0x42: {  	_ =	shalt  }
0x43: {  	_ =	shalt  }
0x44: {  	_ =	shalt  }
0x45: {  	_ =	shalt  }
0x46: {  	_ =	shalt  }
0x47: {  	_ =	shalt  }
0x48: {  	_ =	shalt  }
0x49: {  	_ =	shalt  }
0x4a: {  	_ =	shalt  }
0x4b: {  	_ =	shalt  }
0x4c: {  	_ =	shalt  }
0x4d: {  	_ =	shalt  }
0x4e: {  	_ =	shalt  }
0x4f: {  	_ =	shalt  }
0x50: {  	_ =	shalt  }
0x51: {  	_ =	shalt  }
0x52: {  	_ =	shalt  }
0x53: {  	_ =	shalt  }
0x54: {  	_ =	shalt  }
0x55: {  	_ =	shalt  }
0x56: {  	_ =	shalt  }
0x57: {  	_ =	shalt  }
0x58: {  	_ =	shalt  }
0x59: {  	_ =	shalt  }
0x5a: {  	_ =	shalt  }
0x5b: {  	_ =	shalt  }
0x5c: {  	_ =	shalt  }
0x5d: {  	_ =	shalt  }
0x5e: {  	_ =	shalt  }
0x5f: {  	_ =	shalt  }
0x60: {  	_ =	shalt  }
0x61: {  	_ =	shalt  }
0x62: {  	_ =	shalt  }
0x63: {  	_ =	shalt  }
0x64: {  	_ =	shalt  }
0x65: {  	_ =	shalt  }
0x66: {  	_ =	shalt  }
0x67: {  	_ =	shalt  }
0x68: {  	_ =	shalt  }
0x69: {  	_ =	shalt  }
0x6a: {  	_ =	shalt  }
0x6b: {  	_ =	shalt  }
0x6c: {  	_ =	shalt  }
0x6d: {  	_ =	shalt  }
0x6e: {  	_ =	shalt  }
0x6f: {  	_ =	shalt  }
0x70: {  	_ =	shalt  }
0x71: {  	_ =	shalt  }
0x72: {  	_ =	shalt  }
0x73: {  	_ =	shalt  }
0x74: {  	_ =	shalt  }
0x75: {  	_ =	shalt  }
0x76: {  	_ =	shalt  }
0x77: {  	_ =	shalt  }
0x78: {  	_ =	shalt  }
0x79: {  	_ =	shalt  }
0x7a: {  	_ =	shalt  }
0x7b: {  	_ =	shalt  }
0x7c: {  	_ =	shalt  }
0x7d: {  	_ =	shalt  }
0x7e: {  	_ =	shalt  }
0x7f: {  	_ =	shalt  }
0x80: {  	_ =	shalt  }
0x81: {  	_ =	shalt  }
0x82: {  	_ =	shalt  }
0x83: {  	_ =	shalt  }
0x84: {  	_ =	shalt  }
0x85: {  	_ =	shalt  }
0x86: {  	_ =	shalt  }
0x87: {  	_ =	shalt  }
.Lfunc_end0:
.L_simem_size_0:
called_computation_lowered:
.L_overlay_start_0:
0x88: {  	s2 =	sld [smem:$0x3FD9]  }
0x89: {  	s3 =	sld [smem:$0x3FFE];
	_ =	sdelay $0x1  }
0x8a: {  	s1 =	srdreg.scid  }
0x8b: {  	s0 =	sand.u32 $0x1, s1  }
0x8c: {  	s17 =	sshll.u32 s0, $0xA;
	s2 =	sadd.s32 s3, s2  }
0x8d: {  	s2 =	sadd.s32 s2, s17  }
0x8e: {  	[smem:$0x3FC4] =	sst s2  }
0x8f: {  	_ = 	snop  }
0x90: {  	s2 =	sld [smem:$0x3FD0];
	(tm) =	ssettm $0x1  }
0x91: {  	s18 =	sld [smem:$0x3FFB];
	_ =	sdelay $0x3  }
0x92: {  	_ =	strace s18  }
0x93: {  	s3 =	sld [smem:$0x3FFC];
	_ =	sdelay $0x3  }
0x94: {  	_ =	strace s3  }
0x95: {  	s3 =	sld [smem:$0x3FFD];
	_ =	sdelay $0x3  }
0x96: {  	_ =	strace s3  }
0x97: {  	_ =	strace $0x8FFFFFFF  }
0x98: {  	s19 =	sld [smem:$0x3FDB];
	_ =	sdelay $0x1  }
0x99: {  	s4 =	simm.s32 $_scs_section_size  }
0x9a: {  	s5 =	simm.s32 $_size__tile_overlayer_lowered;
	s6 =	simm.s32 $_tile_overlayer_lowered  }
0x9b: {  	s22 =	simm.s32 $0x1BFF;
	s21 =	sshll.u32 s6, $0x1;
	s3 =	sadd.s32 s4, s19  }
0x9c: {  	s7 =	simm.s32 $0x0;
	s20 =	sshll.u32 s5, $0x1;
	s5 =	sadd.s32 s21, s3  }
0x9d: {  	[timem:s7], [sflag:s22] =	dma.local [hbm:s5], s20  }
0x9e: {  	_ =	swait.ge [sflag:s22], s20  }
0x9f: {  	s4 =	ssub.s32 $0x0, s20;
	[sflag:s22] =	ssyncset.done $0x0  }
0xa0: {  	[sflag:s22] =	ssyncadd.s32 s4;
	_ =	sdelay $0x1  }
0xa1: {  	s23 =	simm.s32 $0x1B8B  }
0xa2: {  	_ =	swait.ge [sflag:s23], $0x1  }
0xa3: {  	[sflag:s23] =	ssyncset.done $0x0  }
0xa4: {  	s25 =	simm.s32 $0x1B8E;
	s24 =	sld [smem:$0x3FFE];
	[sflag:s23] =	ssyncadd.s32 $0xFFFFFFFF  }
0xa5: {  	s26 =	simm.s32 $execute0_lowered;
	[smem:$0x3FD2] =	sst s25  }
0xa6: {  	s5 =	sshll.u32 s26, $0x1;
	_ =	strace $0x80000046;
	[dreg:$0x1] =	wrdreg $0xFFFFFFFF  }
0xa7: {  	s28 =	simm.s32 $_size_execute0_lowered;
	s3 =	sadd.s32 s3, s5;
	[dreg:$0x0] =	wrdreg $0x0  }
0xa8: {  	s5 =	sshll.u32 s28, $0x1;
	[dreg:$0x2] =	wrdreg s3  }
0xa9: {  	[dreg:$0x3] =	wrdreg s5  }
0xaa: {  	[dreg:$0x4] =	wrdreg $0xC0  }
0xab: {  	_ =	task [dreg:s7], $0x5FFFF  }
0xac: {  	[dreg:$0x1] =	wrdreg $0xFFFFFFFF  }
0xad: {  	[dreg:$0x0] =	wrdreg $0x60  }
0xae: {  	[dreg:$0x2] =	wrdreg s2  }
0xaf: {  	[dreg:$0x3] =	wrdreg s24  }
0xb0: {  	[dreg:$0x4] =	wrdreg $0x0  }
0xb1: {  	[dreg:$0x5] =	wrdreg $0x9  }
0xb2: {  	_ =	task.clear_ibuf [dreg:s7], $0x6FFFF;
	_ =	strace $0x90000046  }
0xb3: {  	s29 =	simm.s32 $0x9;
	_ =	strace $0x80000048  }
0xb4: {  	_ =	swait.ge [sflag:s29], $0x1  }
0xb5: {  	[sflag:s29] =	ssyncadd.s32 $0xFFFFFFFF  }
0xb6: {  	_ =	strace $0x90000048  }
0xb7: {  	_ =	sfence  }
0xb8: {  	s30 =	sld [smem:$0x0];
	_ =	sdelay $0x2  }
0xb9: {  	s31 =	sshll.u32 s1, $0xD;
	s1 =	sshrl.u32 s1, $0x2  }
0xba: {  	s3 =	sand.u32 $0x4000, s31;
	s1 =	sadd.s32 s1, s30  }
0xbb: {  	s0 =	sor.u32 s3, s0;
	s1 =	sshll.u32 s1, $0x11  }
0xbc: {  	s0 =	sor.u32 s1, s0  }
0xbd: {  	s0 =	sadd.s32 $0x8F2B, s0  }
0xbe: {  	[sflag:s0] =	ssyncadd.remote.s32 $0x1  }
0xbf: {  	_ =	sfence.sel $0xFFFF  }
0xc0: {  	[dreg:$0x0] =	wrdreg $0xFFFFFFFF;
	(pc) =	sbr.abs _section_cstart, $3  }
0xc1: {  	[dreg:$0x1] =	wrdreg $0xFFFFFFFF  }
0xc2: {  	_ =	task.clear_ibuf [dreg:s7], $0x2FFFF;
	_ =	strace $0x9FFFFFFF  }
0xc3: {  	(tm) =	ssettm $0x7FFFFFFF  }
tec
execute0_lowered:
.L_overlay_start_1:
0x0: {  	(tag) =	ssettag $0x1  }
0x1: {  	s4 =	rddreg [dreg:$0x0]  }
0x2: {  	s3 =	rddreg [dreg:$0x1]  }
0x3: {  	s1 =	rddreg [dreg:$0x2]  }
0x4: {  	s0 =	rddreg [dreg:$0x3];
	s5 =	srdreg.scid  }
0x5: {  	s2 =	simm.s32 $0x0;
	s12 =	stileid.u32;
	s10 =	simm.s32 $0x80  }
0x6: {  	s11 =	simm.s32 $0x2A80;
	s14 =	simm.s32 $0x0;
	s5 =	sand.u32 $0x1, s5  }
0x7: {  	[smem:$0x7FF] =	sst s2;
	s7 =	smul.u32 $0xA00, s12;
	p0 =	sne.s32 s12, $0x0  }
0x8: {  	s6 =	sshll.u32 s5, $0x4;
	_ =	strace $0x80000047;
	s5 =	ssub.s32 $0x2, s5  }
0x9: {  	s13 =	sshrl.u32 @!p0 s1, $0x3;
	s8 =	sor.u32 s12, s6;
	s9 =	sshrl.u32 s5, $0x1  }
0xa: {  	s7 =	sshrl.u32 s7, $0x2;
	s6 =	sadd.s32 s6, s3;
	s12 =	simm.s32 $0x1  }
0xb: {  	s8 =	smul.u32 $0x500, s8;
	s9 =	ssub.s32 s5, s9;
	s3 =	sadd.s32 s7, s1  }
0xc: {  	s5 =	sadd.s32 $0x1600, s6;
	s7 =	simm.s32 $0x2B00;
	s6 =	smax.u32 s9, $0x1  }
0xd: {  	v0 =	vimm.f32 $0.0e+00;
	v1 =	vimm.f32 $1.000000000e+00;
	s9 =	simm.s32 $0x280;
	s4 =	sadd.s32 s4, s8;
	s8 =	simm.s32 $0x2  }
.LBB2_1:
0xe: {  	[tilespmem:$0x2B00] =	vst v0  }
0xf: {  	[tilespmem:$0x2B10] =	vst v0  }
0x10: {  	[tilespmem:$0x2B20] =	vst v0  }
0x11: {  	[tilespmem:$0x2B30] =	vst v0  }
0x12: {  	[tilespmem:$0x2B40] =	vst v0  }
0x13: {  	[tilespmem:$0x2B50] =	vst v0  }
0x14: {  	[tilespmem:$0x2B60] =	vst v0  }
0x15: {  	[tilespmem:$0x2B70] =	vst v0  }
0x16: {  	[tilespmem:$0x2B80] =	vst v0  }
0x17: {  	[tilespmem:$0x2B90] =	vst v0  }
0x18: {  	[tilespmem:$0x2BA0] =	vst v0  }
0x19: {  	[tilespmem:$0x2BB0] =	vst v0  }
0x1a: {  	[tilespmem:$0x2BC0] =	vst v0  }
0x1b: {  	[tilespmem:$0x2BD0] =	vst v0  }
0x1c: {  	[tilespmem:$0x2BE0] =	vst v0  }
0x1d: {  	[tilespmem:$0x2BF0] =	vst v0  }
0x1e: {  	[tilespmem:$0x2C00] =	vst v0  }
0x1f: {  	[tilespmem:$0x2C10] =	vst v0  }
0x20: {  	[tilespmem:$0x2C20] =	vst v0  }
0x21: {  	[tilespmem:$0x2C30] =	vst v0  }
0x22: {  	[tilespmem:$0x2C40] =	vst v0  }
0x23: {  	[tilespmem:$0x2C50] =	vst v0  }
0x24: {  	[tilespmem:$0x2C60] =	vst v0  }
0x25: {  	[tilespmem:$0x2C70] =	vst v0  }
0x26: {  	[tilespmem:$0x2C80] =	vst v0  }
0x27: {  	[tilespmem:$0x2C90] =	vst v0  }
0x28: {  	[tilespmem:$0x2CA0] =	vst v0  }
0x29: {  	[tilespmem:$0x2CB0] =	vst v0  }
0x2a: {  	[tilespmem:$0x2CC0] =	vst v0  }
0x2b: {  	[tilespmem:$0x2CD0] =	vst v0  }
0x2c: {  	[tilespmem:$0x2CE0] =	vst v0  }
0x2d: {  	[tilespmem:$0x2CF0] =	vst v0  }
0x2e: {  	[tilespmem:$0x2D00] =	vst v0  }
0x2f: {  	[tilespmem:$0x2D10] =	vst v0  }
0x30: {  	[tilespmem:$0x2D20] =	vst v0  }
0x31: {  	[tilespmem:$0x2D30] =	vst v0  }
0x32: {  	[tilespmem:$0x2D40] =	vst v0  }
0x33: {  	[tilespmem:$0x2D50] =	vst v0  }
0x34: {  	[tilespmem:$0x2D60] =	vst v0  }
0x35: {  	[tilespmem:$0x2D70] =	vst v0  }
0x36: {  	[spmem:s3] =	stream.linear.scatter [tilespmem:s7], [sflag:$0x2], $0x280, $0x38;
	[tilespmem:$0x2D80] =	vst v63  }
0x37: {  	_ =	swait.ge [sflag:s8], $0x280  }
0x38: {  	[sflag:s8] =	ssyncset.done $0x0  }
0x39: {  	[sflag:s8] =	ssyncadd.s32 $0xFFFFFD80  }
0x3a: {  	[tilespmem:$0x2A80] =	vst v1  }
0x3b: {  	[tilespmem:$0x2A90] =	vst v1  }
0x3c: {  	[tilespmem:$0x2AA0] =	vst v1  }
0x3d: {  	[tilespmem:$0x2AB0] =	vst v1  }
0x3e: {  	[tilespmem:$0x2AC0] =	vst v1  }
0x3f: {  	[tilespmem:$0x2AD0] =	vst v1  }
0x40: {  	[tilespmem:$0x2AE0] =	vst v1  }
0x41: {  	[tilespmem:$0x2AF0] =	vst v1  }
0x42: {  	[tilespmem:s9], [sflag:$0x2] =	stream.linear.gather [hbm4b:s4+s2], $0x2800, $0x38;
	[tilespmem:$0x2D80] =	vst v63  }
0x43: {  	_ =	swait.ge [sflag:s8], $0x2800  }
0x44: {  	[sflag:s8] =	ssyncset.done $0x0  }
0x45: {  	[sflag:s8] =	ssyncadd.s32 $0xFFFFD800  }
0x46: {  	s15 =	simm.s32 $0x0;
	[bflag:$0x0] =	sbarrier.arrive $0xFFFF  }
.LBB2_2:
0x47: {  	p1 =	sne.s32 s15, $0x9E00  }
.Ltmp0:
0x48: {  	_ = 	snop;
	(pc) =	sbr.rel @p1 .LBB2_2-.Ltmp0, $4  }
0x49: {  	_ = 	snop  }
0x4a: {  	s16 =	sshra.s32 s15, $0x2  }
0x4b: {  	s15 =	sadd.s32 $0x200, s15;
	s16 =	sadd.s32 $0x280, s16  }
0x4c: {  	[spmem:s1] =	stream.indirect.scatter.add.f32 [tilespmem:s11], [sflag:$0x1], $0x1, s16, s10, $0xb8;
	[tilespmem:$0x2D80] =	vst v63  }
0x4d: {  	_ =	swait.ge [sflag:s12], $0x80  }
0x4e: {  	s15 =	simm.s32 $0x4F;
	[sflag:s12] =	ssyncset.done $0x0  }
.LBB2_4:
0x4f: {  	p1 =	sne.s32 s15, $0x1;
	s15 =	sadd.s32 $0xFFFFFFFF, s15;
	[sflag:s12] =	ssyncadd.s32 $0xFFFFFF80  }
.Ltmp1:
0x50: {  	(pc) =	sbr.rel @p1 .LBB2_4-.Ltmp1, $3  }
0x51: {  	_ =	sdelay $0x1  }
0x52: {  	_ =	swait.ge [sflag:s12], $0x80  }
0x53: {  	[sflag:s12] =	ssyncset.done $0x0  }
0x54: {  	[sflag:s12] =	ssyncadd.s32 $0xFFFFFF80;
	s15 =	simm.s32 @!p0 $0x1  }
0x55: {  	s16 =	simm.s32 @!p0 $0x20;
	s17 =	simm.s32 @!p0 $0x10;
	s14 =	sadd.s32 $0x1, s14  }
0x56: {  	s18 =	simm.s32 @!p0 $0x1C02;
	[bflag:$0x0] =	sbarrier.arrive $0xFFFF;
	p1 =	sne.s32 s14, s6  }
0x57: {  	[hbm:s5@s16], [sflag:s18] =	dma.strided @!p0 [spmem:s13@s17], $0x500, s15, $0x10   }
.Ltmp2:
0x58: {  	_ = 	snop;
	(pc) =	sbr.rel @p1 .LBB2_1-.Ltmp2, $4  }
0x59: {  	s15 =	simm.s32 @!p0 $0x2  }
0x5a: {  	_ =	swait.ge @!p0 [sflag:s15], $0x500  }
0x5b: {  	[sflag:s15] =	ssyncset.done @!p0 $0x0  }
0x5c: {  	[sflag:s15] =	ssyncadd.s32 @!p0 $0xFFFFFB00  }
0x5d: {  	_ =	sfence.sel $0x180000  }
0x5e: {  	[bflag:$0x0] =	sbarrier.arrive $0xFFFF  }
0x5f: {  	_ =	strace $0x90000047  }
0x60: {  	s0 =	sadd.s32 @!p0 $0x100000, s0;
	[bflag:$0x2] =	sbarrier.arrive $0xFFFF  }
0x61: {  	[sflag:s0] =	ssyncadd.tile.s32 @!p0 $0x1;
	_ =	shalt  }
.Lfunc_end2:
_tile_overlayer_lowered:
.L_overlay_start_2:
0x62: {  	(tag) =	ssettag $0x2  }
0x63: {  	s0 =	rddreg [dreg:$0x0];
	s2 =	stileid.u32  }
0x64: {  	s1 =	rddreg [dreg:$0x1];
	p0 =	sne.s32 s2, $0x0  }
0x65: {  	s3 =	rddreg [dreg:$0x2];
	[bflag:$0x3] =	sbarrier.arrive $0xFFFF;
	s2 =	simm.s32 @!p0 $0x1C02  }
0x66: {  	[timem:s3], [sflag:s2] =	dma.local @!p0 [hbm:s0], s1  }
0x67: {  	s0 =	simm.s32 @!p0 $0x2  }
0x68: {  	_ =	swait.ge @!p0 [sflag:s0], s1  }
0x69: {  	s1 =	ssub.s32 @!p0 $0x0, s1;
	[sflag:s0] =	ssyncset.done @!p0 $0x0  }
0x6a: {  	[sflag:s0] =	ssyncadd.s32 @!p0 s1  }
0x6b: {  	[bflag:$0x3] =	sbarrier.arrive $0xFFFF  }
0x6c: {  	_ =	shalt  }

// kernel: kernel.9.cloned.1.call-start
scs
__scs_entry_jumppad:
0x0: {  	(pc) =	sbr.rel $0x88, $3  }
0x1: {  	(tag) =	ssettag $0x0;
	lr =	simm.s32 $0x1  }
0x2: {  	[smem:$0x3F9D] =	sst lr;
	_ =	strace $0xD0000000  }
0x3: {  	_ = 	snop  }
0x4: {  	_ = 	snop  }
0x5: {  	_ = 	snop  }
0x6: {  	_ = 	snop  }
0x7: {  	_ = 	snop  }
__scs_overlays_trampoline_lowered:
0x8: {  	[smem:$0x3FAC] =	sst s0  }
0x9: {  	[smem:$0x3FAD] =	sst s1  }
0xa: {  	[smem:$0x3FAE] =	sst s2  }
0xb: {  	[smem:$0x3FAF] =	sst s3  }
0xc: {  	[smem:$0x3FB0] =	sst s4  }
0xd: {  	[smem:$0x3FB1] =	sst s5  }
0xe: {  	[smem:$0x3FB2] =	sst s6  }
0xf: {  	[smem:$0x3FB3] =	sst s7  }
0x10: {  	[smem:$0x3FB4] =	sst s8  }
0x11: {  	[smem:$0x3FB5] =	sst s9;
	s0 =	simm.s32 @!p0 $0x0  }
0x12: {  	s1 =	sld [smem:$0x3F9B];
	s0 =	simm.s32 @p0 $0x1  }
0x13: {  	[smem:$0x3FB6] =	sst s0;
	s0 =	simm.s32 @!p1 $0x0  }
0x14: {  	s2 =	sld [smem:$0x3F9A];
	s0 =	simm.s32 @p1 $0x1  }
0x15: {  	[smem:$0x3FB7] =	sst s0;
	s0 =	simm.s32 @!p2 $0x0  }
0x16: {  	s3 =	sld [smem:$0x3FDB];
	s0 =	simm.s32 @p2 $0x1  }
0x17: {  	s4 =	simm.s32 $0x1BF5;
	[smem:$0x3FB9] =	sst s0  }
0x18: {  	s0 =	sld [smem:$0x3F9C];
	_ =	swait.ge [sflag:s4], $0x0  }
0x19: {  	s7 =	sld [smem:$0x3F9D]  }
0x1a: {  	s8 =	sadd.s32 $0xFFFFE003, lr  }
0x1b: {  	s9 =	sadd.s32 $0xFFFFFEF7, lr;
	s5 =	simm.s32 $0xFFFFFFFF;
	p2 =	slt.u32 s8, $0xFFFFF086  }
0x1c: {  	p1 =	slt.u32 s9, $0xF7A;
	s5 =	simm.s32 @!p2 $0x0  }
0x1d: {  	s5 =	simm.s32 @p1 $0x1;
	p0 =	seq.s32 s7, s2  }
0x1e: {  	s7 =	smul.u32 @!p0 $0xF7A, s2;
	p2 =	seq.s32 @!p0 s5, $0x0  }
0x1f: {  	s9 =	smul.u32 $0xF7A, s1;
	s8 =	simm.s32 @!p0 $0x1BF5;
	p2 =	por !p2, p0  }
0x20: {  	[sflag:s8] =	ssyncset.s32 @!p0 $0xFFFFF086;
	s6 =	sadd.s32 @!p0 s3, s7;
	s7 =	simm.s32 @!p0 $0x108  }
0x21: {  	s3 =	sadd.s32 s3, s9;
	s6 =	sadd.s32 @!p0 $0x88, s6;
	s7 =	simm.s32 @p2 $0x1082  }
0x22: {  	[simem:s7], [sflag:s8] =	dma.local @!p0 [hbm:s6], $0xF7A  }
0x23: {  	s9 =	sor.u32 $0xD0000000, s2;
	s6 =	simm.s32 $0x108;
	_ =	swait.ge @!p0 [sflag:s8], $0x0  }
0x24: {  	s3 =	sadd.s32 $0x88, s3;
	s6 =	simm.s32 @!p1 $0x1082;
	[sflag:s4] =	ssyncset.s32 $0xFFFFF086  }
0x25: {  	[simem:s6], [sflag:s4] =	dma.local [hbm:s3], $0xF7A  }
0x26: {  	[smem:$0x3F9D] =	sst s1;
	(tag) =	ssettag s2;
	_ =	strace s9  }
0x27: {  	s1 =	sld [smem:$0x3FAD]  }
0x28: {  	s2 =	sld [smem:$0x3FAE]  }
0x29: {  	s4 =	sld [smem:$0x3FB0]  }
0x2a: {  	p0 =	seq.s32 s5, $0x0;
	s5 =	sld [smem:$0x3FB1]  }
0x2b: {  	s6 =	sld [smem:$0x3FB2]  }
0x2c: {  	s7 =	sld [smem:$0x3FB3]  }
0x2d: {  	s3 =	simm.s32 $0x108;
	s8 =	sld [smem:$0x3FB4]  }
0x2e: {  	s3 =	simm.s32 @!p0 $0x1082;
	s9 =	sld [smem:$0x3FB5]  }
0x2f: {  	lr =	sadd.s32 s0, s3;
	s0 =	sld [smem:$0x3FAC]  }
0x30: {  	s3 =	sld [smem:$0x3FAF]  }
0x31: {  	[smem:$0x3FB8] =	sst s10  }
0x32: {  	s10 =	sld [smem:$0x3FB6];
	_ =	sdelay $0x3  }
0x33: {  	p0 =	seq.s32 s10, $0x1;
	s10 =	sld [smem:$0x3FB8];
	_ =	sdelay $0x3  }
0x34: {  	[smem:$0x3FB8] =	sst s10  }
0x35: {  	s10 =	sld [smem:$0x3FB7];
	_ =	sdelay $0x3  }
0x36: {  	p1 =	seq.s32 s10, $0x1;
	s10 =	sld [smem:$0x3FB8];
	_ =	sdelay $0x3  }
0x37: {  	[smem:$0x3FB8] =	sst s10  }
0x38: {  	s10 =	sld [smem:$0x3FB9]  }
0x39: {  	_ = 	snop;
	(pc) =	sbr.ind lr, $3  }
0x3a: {  	_ = 	snop  }
0x3b: {  	_ = 	snop  }
0x3c: {  	p2 =	seq.s32 s10, $0x1;
	s10 =	sld [smem:$0x3FB8]  }
0x3d: {  	_ =	shalt  }
0x3e: {  	_ =	shalt  }
0x3f: {  	_ =	shalt  }
0x40: {  	_ =	shalt  }
0x41: {  	_ =	shalt  }
0x42: {  	_ =	shalt  }
0x43: {  	_ =	shalt  }
0x44: {  	_ =	shalt  }
0x45: {  	_ =	shalt  }
0x46: {  	_ =	shalt  }
0x47: {  	_ =	shalt  }
0x48: {  	_ =	shalt  }
0x49: {  	_ =	shalt  }
0x4a: {  	_ =	shalt  }
0x4b: {  	_ =	shalt  }
0x4c: {  	_ =	shalt  }
0x4d: {  	_ =	shalt  }
0x4e: {  	_ =	shalt  }
0x4f: {  	_ =	shalt  }
0x50: {  	_ =	shalt  }
0x51: {  	_ =	shalt  }
0x52: {  	_ =	shalt  }
0x53: {  	_ =	shalt  }
0x54: {  	_ =	shalt  }
0x55: {  	_ =	shalt  }
0x56: {  	_ =	shalt  }
0x57: {  	_ =	shalt  }
0x58: {  	_ =	shalt  }
0x59: {  	_ =	shalt  }
0x5a: {  	_ =	shalt  }
0x5b: {  	_ =	shalt  }
0x5c: {  	_ =	shalt  }
0x5d: {  	_ =	shalt  }
0x5e: {  	_ =	shalt  }
0x5f: {  	_ =	shalt  }
0x60: {  	_ =	shalt  }
0x61: {  	_ =	shalt  }
0x62: {  	_ =	shalt  }
0x63: {  	_ =	shalt  }
0x64: {  	_ =	shalt  }
0x65: {  	_ =	shalt  }
0x66: {  	_ =	shalt  }
0x67: {  	_ =	shalt  }
0x68: {  	_ =	shalt  }
0x69: {  	_ =	shalt  }
0x6a: {  	_ =	shalt  }
0x6b: {  	_ =	shalt  }
0x6c: {  	_ =	shalt  }
0x6d: {  	_ =	shalt  }
0x6e: {  	_ =	shalt  }
0x6f: {  	_ =	shalt  }
0x70: {  	_ =	shalt  }
0x71: {  	_ =	shalt  }
0x72: {  	_ =	shalt  }
0x73: {  	_ =	shalt  }
0x74: {  	_ =	shalt  }
0x75: {  	_ =	shalt  }
0x76: {  	_ =	shalt  }
0x77: {  	_ =	shalt  }
0x78: {  	_ =	shalt  }
0x79: {  	_ =	shalt  }
0x7a: {  	_ =	shalt  }
0x7b: {  	_ =	shalt  }
0x7c: {  	_ =	shalt  }
0x7d: {  	_ =	shalt  }
0x7e: {  	_ =	shalt  }
0x7f: {  	_ =	shalt  }
0x80: {  	_ =	shalt  }
0x81: {  	_ =	shalt  }
0x82: {  	_ =	shalt  }
0x83: {  	_ =	shalt  }
0x84: {  	_ =	shalt  }
0x85: {  	_ =	shalt  }
0x86: {  	_ =	shalt  }
0x87: {  	_ =	shalt  }
.Lfunc_end0:
.L_simem_size_0:
called_computation.1_lowered:
.L_overlay_start_0:
0x88: {  	s2 =	sld [smem:$0x3FD9]  }
0x89: {  	s3 =	sld [smem:$0x3FFE];
	_ =	sdelay $0x1  }
0x8a: {  	s1 =	srdreg.scid  }
0x8b: {  	s0 =	sand.u32 $0x1, s1  }
0x8c: {  	s17 =	sshll.u32 s0, $0xA;
	s2 =	sadd.s32 s3, s2  }
0x8d: {  	s2 =	sadd.s32 s2, s17  }
0x8e: {  	[smem:$0x3FC4] =	sst s2  }
0x8f: {  	_ = 	snop  }
0x90: {  	s2 =	sld [smem:$0x3FD0];
	(tm) =	ssettm $0x1  }
0x91: {  	s18 =	sld [smem:$0x3FFB];
	_ =	sdelay $0x3  }
0x92: {  	_ =	strace s18  }
0x93: {  	s3 =	sld [smem:$0x3FFC];
	_ =	sdelay $0x3  }
0x94: {  	_ =	strace s3  }
0x95: {  	s3 =	sld [smem:$0x3FFD];
	_ =	sdelay $0x3  }
0x96: {  	_ =	strace s3  }
0x97: {  	_ =	strace $0x8FFFFFFF  }
0x98: {  	s19 =	sld [smem:$0x3FDB];
	_ =	sdelay $0x1  }
0x99: {  	s4 =	simm.s32 $_scs_section_size  }
0x9a: {  	s5 =	simm.s32 $_size__tile_overlayer_lowered;
	s6 =	simm.s32 $_tile_overlayer_lowered  }
0x9b: {  	s22 =	simm.s32 $0x1BFF;
	s21 =	sshll.u32 s6, $0x1;
	s3 =	sadd.s32 s4, s19  }
0x9c: {  	s7 =	simm.s32 $0x0;
	s20 =	sshll.u32 s5, $0x1;
	s5 =	sadd.s32 s21, s3  }
0x9d: {  	[timem:s7], [sflag:s22] =	dma.local [hbm:s5], s20  }
0x9e: {  	_ =	swait.ge [sflag:s22], s20  }
0x9f: {  	s4 =	ssub.s32 $0x0, s20;
	[sflag:s22] =	ssyncset.done $0x0  }
0xa0: {  	[sflag:s22] =	ssyncadd.s32 s4;
	_ =	sdelay $0x1  }
0xa1: {  	s23 =	simm.s32 $0x1B8B  }
0xa2: {  	_ =	swait.ge [sflag:s23], $0x1  }
0xa3: {  	[sflag:s23] =	ssyncset.done $0x0  }
0xa4: {  	s25 =	simm.s32 $0x1B8E;
	s24 =	sld [smem:$0x3FFE];
	[sflag:s23] =	ssyncadd.s32 $0xFFFFFFFF  }
0xa5: {  	s26 =	simm.s32 $execute0_lowered;
	[smem:$0x3FD2] =	sst s25  }
0xa6: {  	s5 =	sshll.u32 s26, $0x1;
	_ =	strace $0x80000049;
	[dreg:$0x1] =	wrdreg $0xFFFFFFFF  }
0xa7: {  	s28 =	simm.s32 $_size_execute0_lowered;
	s3 =	sadd.s32 s3, s5;
	[dreg:$0x0] =	wrdreg $0x0  }
0xa8: {  	s5 =	sshll.u32 s28, $0x1;
	[dreg:$0x2] =	wrdreg s3  }
0xa9: {  	[dreg:$0x3] =	wrdreg s5  }
0xaa: {  	[dreg:$0x4] =	wrdreg $0xC0  }
0xab: {  	_ =	task [dreg:s7], $0x5FFFF  }
0xac: {  	[dreg:$0x1] =	wrdreg $0xFFFFFFFF  }
0xad: {  	[dreg:$0x0] =	wrdreg $0x60  }
0xae: {  	[dreg:$0x2] =	wrdreg s2  }
0xaf: {  	[dreg:$0x3] =	wrdreg s24  }
0xb0: {  	[dreg:$0x4] =	wrdreg $0x0  }
0xb1: {  	[dreg:$0x5] =	wrdreg $0x9  }
0xb2: {  	_ =	task.clear_ibuf [dreg:s7], $0x6FFFF;
	_ =	strace $0x90000049  }
0xb3: {  	s29 =	simm.s32 $0x9;
	_ =	strace $0x8000004B  }
0xb4: {  	_ =	swait.ge [sflag:s29], $0x1  }
0xb5: {  	[sflag:s29] =	ssyncadd.s32 $0xFFFFFFFF  }
0xb6: {  	_ =	strace $0x9000004B  }
0xb7: {  	_ =	sfence  }
0xb8: {  	s30 =	sld [smem:$0x0];
	_ =	sdelay $0x2  }
0xb9: {  	s31 =	sshll.u32 s1, $0xD;
	s1 =	sshrl.u32 s1, $0x2  }
0xba: {  	s3 =	sand.u32 $0x4000, s31;
	s1 =	sadd.s32 s1, s30  }
0xbb: {  	s0 =	sor.u32 s3, s0;
	s1 =	sshll.u32 s1, $0x11  }
0xbc: {  	s0 =	sor.u32 s1, s0  }
0xbd: {  	s0 =	sadd.s32 $0x8F2B, s0  }
0xbe: {  	[sflag:s0] =	ssyncadd.remote.s32 $0x1  }
0xbf: {  	_ =	sfence.sel $0xFFFF  }
0xc0: {  	[dreg:$0x0] =	wrdreg $0xFFFFFFFF;
	(pc) =	sbr.abs _section_cstart, $3  }
0xc1: {  	[dreg:$0x1] =	wrdreg $0xFFFFFFFF  }
0xc2: {  	_ =	task.clear_ibuf [dreg:s7], $0x2FFFF;
	_ =	strace $0x9FFFFFFF  }
0xc3: {  	(tm) =	ssettm $0x7FFFFFFF  }
tec
execute0_lowered:
.L_overlay_start_1:
0x0: {  	(tag) =	ssettag $0x1  }
0x1: {  	s1 =	rddreg [dreg:$0x0]  }
0x2: {  	s4 =	rddreg [dreg:$0x1]  }
0x3: {  	s2 =	rddreg [dreg:$0x2]  }
0x4: {  	s3 =	simm.s32 $0x0;
	s5 =	srdreg.scid;
	s14 =	stileid.u32  }
0x5: {  	s19 =	simm.s32 $0x13A80;
	s28 =	simm.s32 $0x13A00;
	s29 =	simm.s32 $0x0  }
0x6: {  	[smem:$0x7FF] =	sst s3;
	s7 =	sand.u32 $0x1, s5;
	s6 =	smul.u32 $0x4E000, s14  }
0x7: {  	s13 =	sadd.s32 $0x2000, s4;
	s10 =	sadd.s32 $0x3D200, s4;
	s8 =	smul.u32 $0x13800, s14  }
0x8: {  	s25 =	sshll.u32 s14, $0x6;
	s16 =	sadd.s32 $0x138000, s2;
	s18 =	smul.u32 $0x5000, s14  }
0x9: {  	p0 =	sne.s32 s14, $0x0;
	_ =	strace $0x8000004A;
	s12 =	smul.u32 $0x138800, s7  }
0xa: {  	s5 =	ssub.s32 $0x2, s7;
	s21 =	sshll.u32 s7, $0x4;
	s17 =	smul.u32 $0x50000, s7  }
0xb: {  	s16 =	sshrl.u32 @!p0 s16, $0x3;
	s20 =	sshrl.u32 s5, $0x1;
	s22 =	sshrl.u32 s6, $0x2  }
0xc: {  	s23 =	sor.u32 s14, s21;
	s24 =	sshrl.u32 s8, $0x3;
	s6 =	sadd.s32 $0x27000, s1  }
0xd: {  	s21 =	simm.s32 $0x2;
	s11 =	ssub.s32 s5, s20;
	s15 =	sadd.s32 s22, s2  }
0xe: {  	s4 =	sadd.s32 s1, s24;
	s9 =	smul.u32 $0x5000, s23;
	s5 =	sor.u32 $0x1C05, s25  }
0xf: {  	s26 =	sadd.s32 s8, s12;
	s12 =	sshrl.u32 s12, $0x3;
	s30 =	sadd.s32 s18, s17  }
0x10: {  	s18 =	simm.s32 $0x7D;
	s20 =	simm.s32 $0x13980;
	s22 =	simm.s32 $0x17A80  }
0x11: {  	s23 =	simm.s32 $0x3;
	s24 =	simm.s32 $0x13900;
	s25 =	simm.s32 $0x1  }
0x12: {  	s17 =	sor.u32 $0x300, s30;
	s11 =	smax.u32 s11, $0x1;
	s14 =	sshrl.u32 s15, $0x3  }
0x13: {  	s15 =	simm.s32 $0x5;
	s9 =	sshrl.u32 s9, $0x3;
	s17 =	sshrl.u32 s17, $0x3  }
0x14: {  	s7 =	sadd.s32 s13, s9;
	s9 =	sshrl.u32 s26, $0x3;
	s26 =	simm.s32 $0x4  }
0x15: {  	s9 =	sadd.s32 s10, s9;
	s10 =	sadd.s32 s10, s12;
	s12 =	sor.u32 $0x200, s30  }
0x16: {  	s8 =	sadd.s32 $0x20, s7;
	s10 =	sadd.s32 $0x27000, s10;
	s31 =	sshrl.u32 s12, $0x3  }
0x17: {  	s12 =	sadd.s32 s17, s13;
	s17 =	simm.s32 $0x13880;
	s13 =	sadd.s32 s31, s13  }
.LBB2_1:
0x18: {  	[spmem:s14], [sflag:s5] =	dma.local [hbm:s4], $0x2700  }
0x19: {  	_ =	swait.ge [sflag:s15], $0x2700  }
0x1a: {  	[sflag:s15] =	ssyncset.done $0x0  }
0x1b: {  	s30 =	simm.s32 @!p0 $0x5;
	[sflag:s15] =	ssyncadd.s32 $0xFFFFD900  }
0x1c: {  	[spmem:s16], [sflag:s5] =	dma.local @!p0 [hbm:s6], $0x100  }
0x1d: {  	_ =	swait.ge @!p0 [sflag:s30], $0x100  }
0x1e: {  	[sflag:s30] =	ssyncset.done @!p0 $0x0  }
0x1f: {  	[sflag:s30] =	ssyncadd.s32 @!p0 $0xFFFFFF00  }
0x20: {  	[tilespmem:s17], [sflag:$0x5] =	stream.linear.gather [hbm4b:s7+s3], $0x100, $0x38;
	[tilespmem:$0x1BA80] =	vst v63  }
0x21: {  	_ =	swait.ge [sflag:s15], $0x100  }
0x22: {  	[sflag:s15] =	ssyncset.done $0x0  }
0x23: {  	[sflag:s15] =	ssyncadd.s32 $0xFFFFFF00  }
0x24: {  	[bflag:$0x0] =	sbarrier.arrive $0xFFFF  }
0x25: {  	[tilespmem:s19], [sflag:$0x3] =	stream.indirect.gather [hbm4b:s1+s18], $0x80, s17, s18, $0xb8;
	[tilespmem:$0x1BA80] =	vst v63  }
0x26: {  	_ = 	snop  }
0x27: {  	[tilespmem:s20], [sflag:$0x2] =	stream.linear.gather [hbm4b:s8+s3], $0x100, $0x38;
	[tilespmem:$0x1BA80] =	vst v63  }
0x28: {  	_ =	swait.ge [sflag:s21], $0x100  }
0x29: {  	[sflag:s21] =	ssyncset.done $0x0  }
0x2a: {  	[sflag:s21] =	ssyncadd.s32 $0xFFFFFF00  }
0x2b: {  	[tilespmem:s22], [sflag:$0x4] =	stream.indirect.gather [hbm4b:s1+s18], $0x80, s20, s18, $0xb8;
	[tilespmem:$0x1BA80] =	vst v63  }
0x2c: {  	_ =	swait.ge [sflag:s23], $0x3E80  }
0x2d: {  	[sflag:s23] =	ssyncset.done $0x0  }
0x2e: {  	[sflag:s23] =	ssyncadd.s32 $0xFFFFC180  }
0x2f: {  	[spmem:s2] =	stream.indirect.scatter.add.f32 [tilespmem:s19], [sflag:$0x5], $0x80, s24, s18, $0xb8;
	[tilespmem:$0x1BA80] =	vst v63  }
0x30: {  	_ =	swait.ge [sflag:s15], $0x3E80  }
0x31: {  	[sflag:s15] =	ssyncset.done $0x0  }
0x32: {  	s30 =	sadd.s32 $0x0, s13;
	[sflag:s15] =	ssyncadd.s32 $0xFFFFC180  }
0x33: {  	[tilespmem:s17], [sflag:$0x1] =	stream.linear.gather [hbm4b:s30+s3], $0x100, $0x38;
	[tilespmem:$0x1BA80] =	vst v63  }
0x34: {  	_ =	swait.ge [sflag:s25], $0x100  }
0x35: {  	[sflag:s25] =	ssyncset.done $0x0  }
0x36: {  	[sflag:s25] =	ssyncadd.s32 $0xFFFFFF00  }
0x37: {  	[tilespmem:s19], [sflag:$0x3] =	stream.indirect.gather [hbm4b:s1+s18], $0x80, s17, s18, $0xb8;
	[tilespmem:$0x1BA80] =	vst v63  }
0x38: {  	_ =	swait.ge [sflag:s26], $0x3E80  }
0x39: {  	[sflag:s26] =	ssyncset.done $0x0  }
0x3a: {  	[sflag:s26] =	ssyncadd.s32 $0xFFFFC180  }
0x3b: {  	[spmem:s2] =	stream.indirect.scatter.add.f32 [tilespmem:s22], [sflag:$0x5], $0x80, s28, s18, $0xb8;
	[tilespmem:$0x1BA80] =	vst v63  }
0x3c: {  	_ =	swait.ge [sflag:s15], $0x3E80  }
0x3d: {  	[sflag:s15] =	ssyncset.done $0x0  }
0x3e: {  	s31 =	sadd.s32 $0x0, s12;
	s30 =	simm.s32 $0x40;
	[sflag:s15] =	ssyncadd.s32 $0xFFFFC180  }
.LBB2_2:
0x3f: {  	[tilespmem:s20], [sflag:$0x2] =	stream.linear.gather [hbm4b:s31+s3], $0x100, $0x38;
	[tilespmem:$0x1BA80] =	vst v63  }
0x40: {  	s31 =	smov.u32 s30  }
0x41: {  	p1 =	sne.s32 s30, $0x980;
	s30 =	sadd.s32 $0x40, s30;
	_ =	swait.ge [sflag:s21], $0x100  }
0x42: {  	[sflag:s21] =	ssyncset.done $0x0  }
0x43: {  	[sflag:s21] =	ssyncadd.s32 $0xFFFFFF00  }
0x44: {  	[tilespmem:s22], [sflag:$0x4] =	stream.indirect.gather [hbm4b:s1+s18], $0x80, s20, s18, $0xb8;
	[tilespmem:$0x1BA80] =	vst v63  }
0x45: {  	_ =	swait.ge [sflag:s23], $0x3E80  }
0x46: {  	[sflag:s23] =	ssyncset.done $0x0  }
0x47: {  	[sflag:s23] =	ssyncadd.s32 $0xFFFFC180  }
0x48: {  	[spmem:s2] =	stream.indirect.scatter.add.f32 [tilespmem:s19], [sflag:$0x5], $0x80, s24, s18, $0xb8;
	[tilespmem:$0x1BA80] =	vst v63  }
0x49: {  	_ =	swait.ge [sflag:s15], $0x3E80  }
0x4a: {  	[sflag:s15] =	ssyncset.done $0x0  }
0x4b: {  	s0 =	sadd.s32 s31, s13;
	[sflag:s15] =	ssyncadd.s32 $0xFFFFC180  }
0x4c: {  	[tilespmem:s17], [sflag:$0x1] =	stream.linear.gather [hbm4b:s0+s3], $0x100, $0x38;
	[tilespmem:$0x1BA80] =	vst v63  }
0x4d: {  	_ =	swait.ge [sflag:s25], $0x100  }
0x4e: {  	[sflag:s25] =	ssyncset.done $0x0  }
0x4f: {  	[sflag:s25] =	ssyncadd.s32 $0xFFFFFF00  }
0x50: {  	[tilespmem:s19], [sflag:$0x3] =	stream.indirect.gather [hbm4b:s1+s18], $0x80, s17, s18, $0xb8;
	[tilespmem:$0x1BA80] =	vst v63  }
0x51: {  	_ =	swait.ge [sflag:s26], $0x3E80  }
0x52: {  	[sflag:s26] =	ssyncset.done $0x0  }
.Ltmp0:
0x53: {  	[sflag:s26] =	ssyncadd.s32 $0xFFFFC180;
	(pc) =	sbr.rel @p1 .LBB2_2-.Ltmp0, $4  }
0x54: {  	[spmem:s2] =	stream.indirect.scatter.add.f32 [tilespmem:s22], [sflag:$0x5], $0x80, s28, s18, $0xb8;
	[tilespmem:$0x1BA80] =	vst v63  }
0x55: {  	_ =	swait.ge [sflag:s15], $0x3E80  }
0x56: {  	[sflag:s15] =	ssyncset.done $0x0  }
0x57: {  	s31 =	sadd.s32 s31, s12;
	[sflag:s15] =	ssyncadd.s32 $0xFFFFC180  }
0x58: {  	[tilespmem:s20], [sflag:$0x2] =	stream.linear.gather [hbm4b:s31+s3], $0x100, $0x38;
	[tilespmem:$0x1BA80] =	vst v63  }
0x59: {  	_ =	swait.ge [sflag:s21], $0x100  }
0x5a: {  	[sflag:s21] =	ssyncset.done $0x0  }
0x5b: {  	[sflag:s21] =	ssyncadd.s32 $0xFFFFFF00  }
0x5c: {  	[tilespmem:s22], [sflag:$0x4] =	stream.indirect.gather [hbm4b:s1+s18], $0x80, s20, s18, $0xb8;
	[tilespmem:$0x1BA80] =	vst v63  }
0x5d: {  	_ =	swait.ge [sflag:s23], $0x3E80  }
0x5e: {  	[sflag:s23] =	ssyncset.done $0x0  }
0x5f: {  	[sflag:s23] =	ssyncadd.s32 $0xFFFFC180  }
0x60: {  	[spmem:s2] =	stream.indirect.scatter.add.f32 [tilespmem:s19], [sflag:$0x5], $0x80, s24, s18, $0xb8;
	[tilespmem:$0x1BA80] =	vst v63  }
0x61: {  	_ =	swait.ge [sflag:s15], $0x3E80  }
0x62: {  	[sflag:s15] =	ssyncset.done $0x0  }
0x63: {  	[sflag:s15] =	ssyncadd.s32 $0xFFFFC180  }
0x64: {  	_ =	swait.ge [sflag:s26], $0x3E80  }
0x65: {  	[sflag:s26] =	ssyncset.done $0x0  }
0x66: {  	[sflag:s26] =	ssyncadd.s32 $0xFFFFC180  }
0x67: {  	[spmem:s2] =	stream.indirect.scatter.add.f32 [tilespmem:s22], [sflag:$0x5], $0x80, s28, s18, $0xb8;
	[tilespmem:$0x1BA80] =	vst v63  }
0x68: {  	_ =	swait.ge [sflag:s15], $0x3E80  }
0x69: {  	[sflag:s15] =	ssyncset.done $0x0  }
0x6a: {  	[sflag:s15] =	ssyncadd.s32 $0xFFFFC180  }
0x6b: {  	[bflag:$0x0] =	sbarrier.arrive $0xFFFF  }
0x6c: {  	[hbm:s9], [sflag:s5] =	dma.local [spmem:s14], $0x2700  }
0x6d: {  	s29 =	sadd.s32 $0x1, s29;
	_ =	swait.ge [sflag:s15], $0x2700  }
0x6e: {  	p1 =	sne.s32 s29, s11;
	[sflag:s15] =	ssyncset.done $0x0  }
.Ltmp1:
0x6f: {  	s0 =	simm.s32 @!p0 $0x5;
	[sflag:s15] =	ssyncadd.s32 $0xFFFFD900;
	(pc) =	sbr.rel @p1 .LBB2_1-.Ltmp1, $4  }
0x70: {  	[hbm:s10], [sflag:s5] =	dma.local @!p0 [spmem:s16], $0x100  }
0x71: {  	_ =	swait.ge @!p0 [sflag:s0], $0x100  }
0x72: {  	[sflag:s0] =	ssyncset.done @!p0 $0x0  }
0x73: {  	[sflag:s0] =	ssyncadd.s32 @!p0 $0xFFFFFF00  }
0x74: {  	_ =	sfence.sel $0x180000  }
0x75: {  	[bflag:$0x0] =	sbarrier.arrive $0xFFFF  }
0x76: {  	_ =	strace $0x9000004A  }
0x77: {  	[bflag:$0x2] =	sbarrier.arrive $0xFFFF  }
0x78: {  	s0 =	rddreg [dreg:$0x3]  }
0x79: {  	s0 =	sadd.s32 @!p0 $0x100000, s0  }
0x7a: {  	[sflag:s0] =	ssyncadd.tile.s32 @!p0 $0x1;
	_ =	shalt  }
.Lfunc_end2:
_tile_overlayer_lowered:
.L_overlay_start_2:
0x7b: {  	(tag) =	ssettag $0x2  }
0x7c: {  	s0 =	rddreg [dreg:$0x0];
	s2 =	stileid.u32  }
0x7d: {  	s1 =	rddreg [dreg:$0x1];
	p0 =	sne.s32 s2, $0x0  }
0x7e: {  	s3 =	rddreg [dreg:$0x2];
	[bflag:$0x3] =	sbarrier.arrive $0xFFFF;
	s2 =	simm.s32 @!p0 $0x1C05  }
0x7f: {  	[timem:s3], [sflag:s2] =	dma.local @!p0 [hbm:s0], s1  }
0x80: {  	s0 =	simm.s32 @!p0 $0x5  }
0x81: {  	_ =	swait.ge @!p0 [sflag:s0], s1  }
0x82: {  	s1 =	ssub.s32 @!p0 $0x0, s1;
	[sflag:s0] =	ssyncset.done @!p0 $0x0  }
0x83: {  	[sflag:s0] =	ssyncadd.s32 @!p0 s1  }
0x84: {  	[bflag:$0x3] =	sbarrier.arrive $0xFFFF  }
0x85: {  	_ =	shalt  }

</sc_bundles>
